<compile_context>
chip_gen: v7x
topology: tpu7x:2x2x1
jax: 0.10.2.dev20260603
libtpu: 0.0.44.dev20260713+nightly
codegen_flags: <defaults>
</compile_context>

<pallas_src>
import jax
import jax.numpy as jnp
from jax import lax
from jax.experimental import pallas as pl
from jax.experimental.pallas import tpu as pltpu
from jax.experimental.pallas import tpu_sc as plsc

_B, _N, _D = 1024, 1024, 32
_NC, _NS = 2, 16
_NW = _NC * _NS
_BLOCKS_PER_W = _B // _NW
_IDX_MINOR = 128
_HALF = _N // 2
_JP = _HALF // _IDX_MINOR
_NCHUNK = 2 * _BLOCKS_PER_W
_PITCH = 133


def _pos_body(g_ref, w_ref, b_ref, o_ref):
    o_ref[...] = (
        jnp.dot(g_ref[...], w_ref[...], preferred_element_type=jnp.float32)
        + b_ref[...]
    )


def _sc_body(x_hbm, tab_hbm, pos_hbm, out_hbm,
             idx0, idx1, rows0, rows1, tr0, tr1, pos_v,
             g0, g1, o0, o1, i0, i1):
    c = lax.axis_index("c")
    s = lax.axis_index("s")
    wid = s * _NC + c
    base = wid * _BLOCKS_PER_W
    idx = (idx0, idx1)
    rows = (rows0, rows1)
    tr = (tr0, tr1)
    gsem = (g0, g1)
    osem = (o0, o1)
    isem = (i0, i1)
    pltpu.sync_copy(pos_hbm, pos_v)
    lane = lax.iota(jnp.int32, 16)
    db_lo = lax.shift_right_logical(lane, 3)
    db_hi = db_lo + 2
    dr_c = lax.bitwise_and(lane, 7)

    def fetch_idx(t, buf):
        b = base + lax.shift_right_logical(t, 1)
        h = lax.bitwise_and(t, 1)
        bb = lax.shift_right_logical(b, 3)
        br = lax.bitwise_and(b, 7)
        pltpu.async_copy(
            x_hbm.at[bb, pl.ds(lax.shift_left(h, 2), _JP), br],
            idx[buf], isem[buf])

    def drain_idx(buf):
        pltpu.make_async_copy(
            x_hbm.at[0, pl.ds(0, _JP), 0], idx[buf], isem[buf]).wait()

    def fire(buf):
        for j in range(_JP):
            pltpu.async_copy(
                tab_hbm.at[idx[buf].at[j]],
                rows[buf].at[pl.ds(j * _IDX_MINOR, _IDX_MINOR)],
                gsem[buf],
            )

    out_dummy = out_hbm.at[0].at[:, pl.ds(0, 4)]
    fetch_idx(0, 0)
    drain_idx(0)
    fire(0)
    fetch_idx(1, 1)

    def pair(i, carry):
        for j in range(2):
            cur = j
            nxt = 1 - j
            t = i * 2 + j

            @pl.when(t + 1 < _NCHUNK)
            def _fire_next():
                drain_idx(nxt)
                fire(nxt)

            pltpu.make_async_copy(tab_hbm.at[pl.ds(0, _HALF)],
                                  rows[cur], gsem[cur]).wait()

            @pl.when(t + 2 < _NCHUNK)
            def _prefetch_idx():
                fetch_idx(t + 2, cur)

            @pl.when(t >= 2)
            def _wait_wb():
                pltpu.make_async_copy(
                    tr[cur].at[:, :, :, pl.ds(0, _IDX_MINOR)],
                    out_dummy, osem[cur]).wait()

            h = lax.bitwise_and(t, 1)
            noff = lax.shift_left(h, 9)

            @plsc.parallel_loop(0, _HALF, step=1, unroll=8)
            def transpose_add(k):
                nb = lax.shift_right_logical(k, 7)
                nc = lax.bitwise_and(k, 127)
                nbv = jnp.broadcast_to(nb, (16,))
                ncv = jnp.broadcast_to(nc, (16,))
                ng = noff + k
                v0 = rows[cur][k, pl.ds(0, 16)] + pos_v[ng, pl.ds(0, 16)]
                v1 = rows[cur][k, pl.ds(16, 16)] + pos_v[ng, pl.ds(16, 16)]
                plsc.store_scatter(tr[cur], [db_lo, nbv, dr_c, ncv], v0)
                plsc.store_scatter(tr[cur], [db_hi, nbv, dr_c, ncv], v1)

            b = base + lax.shift_right_logical(t, 1)
            pltpu.async_copy(
                tr[cur].at[:, :, :, pl.ds(0, _IDX_MINOR)],
                out_hbm.at[b].at[:, pl.ds(lax.shift_left(h, 2), 4)],
                osem[cur],
            )
        return carry

    lax.fori_loop(0, _NCHUNK // 2, pair, 0)
    pltpu.make_async_copy(tr[0].at[:, :, :, pl.ds(0, _IDX_MINOR)],
                          out_dummy, osem[0]).wait()
    pltpu.make_async_copy(tr[1].at[:, :, :, pl.ds(0, _IDX_MINOR)],
                          out_dummy, osem[1]).wait()


def kernel(x, tok_table, pos_W, pos_b, grid):
    g2 = grid.reshape(_N, 4)
    pos = pl.pallas_call(
        _pos_body,
        out_shape=jax.ShapeDtypeStruct((_N, _D), jnp.float32),
    )(g2, pos_W.T, pos_b.reshape(1, _D))

    x4 = x.reshape(_B // 8, 8, 8, _IDX_MINOR).transpose(0, 2, 1, 3)
    sc = pl.kernel(
        _sc_body,
        out_type=jax.ShapeDtypeStruct((_B, 4, 8, 8, _IDX_MINOR), jnp.float32),
        mesh=plsc.VectorSubcoreMesh(core_axis_name="c", subcore_axis_name="s"),
        compiler_params=pltpu.CompilerParams(
            use_tc_tiling_on_sc=False, needs_layout_passes=False),
        scratch_types=[
            pltpu.VMEM((_JP, _IDX_MINOR), jnp.int32),
            pltpu.VMEM((_JP, _IDX_MINOR), jnp.int32),
            pltpu.VMEM((_HALF, _D), jnp.float32),
            pltpu.VMEM((_HALF, _D), jnp.float32),
            pltpu.VMEM((4, 4, 8, _PITCH), jnp.float32),
            pltpu.VMEM((4, 4, 8, _PITCH), jnp.float32),
            pltpu.VMEM((_N, _D), jnp.float32),
            pltpu.SemaphoreType.DMA,
            pltpu.SemaphoreType.DMA,
            pltpu.SemaphoreType.DMA,
            pltpu.SemaphoreType.DMA,
            pltpu.SemaphoreType.DMA,
            pltpu.SemaphoreType.DMA,
        ],
    )
    out5 = sc(x4, tok_table, pos)
    out = out5.transpose(0, 2, 4, 1, 3)
    return out.reshape(_B, _N, _D)

# --- scband reference (transcript-rebuilt; emitter-appended) ---
"""Pipeline reference for scband-soft2-dembedder-53369263620310 (READ-ONLY COPY).

The authoritative reference and input builder live on the scoring server;
editing this copy changes nothing except your own understanding.
"""

import jax, jax.numpy as jnp
import numpy as np


def build_grid(resolution):
    size = [np.linspace(0.0, 1.0, num=k) for k in resolution]
    grid = np.meshgrid(*size, sparse=False, indexing='ij')
    grid = np.stack(grid, axis=-1)
    grid = np.reshape(grid, [resolution[0], resolution[1], -1])
    grid = grid[None].astype(np.float32)
    grid = np.concatenate([grid, 1.0 - grid], axis=-1)
    return jnp.asarray(grid)


def setup_inputs(seed: int = 0):
    key = jax.random.key(seed)
    k1, k2, k3, k4 = jax.random.split(key, 4)
    B, N = 1024, 1024
    num_token, embed_dim = 100000, 32
    x = jax.random.randint(k1, (B, N), 0, num_token, dtype=jnp.int32)
    tok_table = jax.random.normal(k2, (num_token, embed_dim), dtype=jnp.float32) * 0.02
    pos_W = jax.random.normal(k3, (embed_dim, 4), dtype=jnp.float32) * 0.1
    pos_b = jax.random.normal(k4, (embed_dim,), dtype=jnp.float32) * 0.01
    grid = build_grid([32, 32])
    return {"x": x, "tok_table": tok_table, "pos_W": pos_W, "pos_b": pos_b, "grid": grid}


def reference(x, tok_table, pos_W, pos_b, grid):
    # pos_embed: Linear(4 -> embed_dim) applied to grid [1, R0, R1, 4]
    embed_dim = tok_table.shape[1]
    pos = jnp.einsum('bhwc,dc->bhwd', grid, pos_W) + pos_b
    pos = pos.reshape(-1, embed_dim)  # [R0*R1, embed_dim]; offset=0 so no ext embed concat
    # tok_embed: embedding gather [B, N] -> [B, N, embed_dim]
    tok = jnp.take(tok_table, x, axis=0)
    # broadcast add: [B, N, D] + [N, D]
    return tok + pos

if __name__ == "__main__":
    import jax
    _d = setup_inputs()
    print(jax.jit(kernel)(*tuple(_d.values())))

</pallas_src>

<mosaic_0001>
#map = affine_map<(d0, d1) -> (0, 0, 0, 0)>
#map1 = affine_map<(d0, d1) -> (0, 0)>
#map2 = affine_map<(d0, d1) -> (0, 0, 0, 0, 0)>
module attributes {stable_mosaic.version = 14 : i64} {
  func.func @_sc_body(%arg0: i32, %arg1: i32, %arg2: memref<128x8x8x128xi32, #tpu.memory_space<hbm>>, %arg3: memref<100000x32xf32, #tpu.memory_space<hbm>>, %arg4: memref<1024x32xf32, #tpu.memory_space<hbm>>, %arg5: memref<1024x4x8x8x128xf32, #tpu.memory_space<hbm>>, %arg6: memref<4x128xi32, #tpu.memory_space<vmem>>, %arg7: memref<4x128xi32, #tpu.memory_space<vmem>>, %arg8: memref<512x32xf32, #tpu.memory_space<vmem>>, %arg9: memref<512x32xf32, #tpu.memory_space<vmem>>, %arg10: memref<4x4x8x133xf32, #tpu.memory_space<vmem>>, %arg11: memref<4x4x8x133xf32, #tpu.memory_space<vmem>>, %arg12: memref<1024x32xf32, #tpu.memory_space<vmem>>, %arg13: memref<!tpu.dma_semaphore, #tpu.memory_space<semaphore_mem>>, %arg14: memref<!tpu.dma_semaphore, #tpu.memory_space<semaphore_mem>>, %arg15: memref<!tpu.dma_semaphore, #tpu.memory_space<semaphore_mem>>, %arg16: memref<!tpu.dma_semaphore, #tpu.memory_space<semaphore_mem>>, %arg17: memref<!tpu.dma_semaphore, #tpu.memory_space<semaphore_mem>>, %arg18: memref<!tpu.dma_semaphore, #tpu.memory_space<semaphore_mem>>) attributes {dimension_semantics = [#tpu.dimension_semantics<core_parallel>, #tpu.dimension_semantics<subcore_parallel>], iteration_bounds = array<i64: 2, 16>, scalar_prefetch = 0 : i64, scratch_operands = 13 : i64, tpu.core_type = #tpu.core_type<sc_vector_subcore>, window_params = [{transform_indices = #map}, {transform_indices = #map1}, {transform_indices = #map1}, {transform_indices = #map2}]} {
    %mul3A = arith.constant 2 : i32
    %mul3A_0 = arith.muli %arg1, %mul3A : i32
    %add3A = arith.addi %mul3A_0, %arg0 : i32
    %mul3A_1 = arith.constant 32 : i32
    %mul3A_2 = arith.muli %add3A, %mul3A_1 : i32
    "tpu.region"() ({
      %run_scoped3A = tpu.sem_alloc : memref<!tpu.dma_semaphore, #tpu.memory_space<semaphore_mem>>
      tpu.enqueue_dma source(%arg4 : memref<1024x32xf32, #tpu.memory_space<hbm>>) target(%arg12 : memref<1024x32xf32, #tpu.memory_space<vmem>>) target_semaphore(%run_scoped3A : memref<!tpu.dma_semaphore, #tpu.memory_space<semaphore_mem>>)
      tpu.wait_dma2 semaphore(%run_scoped3A : memref<!tpu.dma_semaphore, #tpu.memory_space<semaphore_mem>>) src(%arg4 : memref<1024x32xf32, #tpu.memory_space<hbm>>) dst(%arg12 : memref<1024x32xf32, #tpu.memory_space<vmem>>)
      tpu.yield
    }) : () -> ()
    %iota3A = tpu.iota {dimensions = array<i32: 0>} : vector<16xi32>
    %shift_right_logical3A = arith.constant 3 : i32
    %shift_right_logical3A_3 = vector.broadcast %shift_right_logical3A : i32 to vector<16xi32>
    %shift_right_logical3A_4 = arith.shrui %iota3A, %shift_right_logical3A_3 : vector<16xi32>
    %add3A_5 = arith.constant 2 : i32
    %add3A_6 = vector.broadcast %add3A_5 : i32 to vector<16xi32>
    %add3A_7 = arith.addi %shift_right_logical3A_4, %add3A_6 : vector<16xi32>
    %and3A = arith.constant 7 : i32
    %and3A_8 = vector.broadcast %and3A : i32 to vector<16xi32>
    %and3A_9 = arith.andi %iota3A, %and3A_8 : vector<16xi32>
    %shift_right_logical3A_10 = arith.constant 0 : i32
    %shift_right_logical3A_11 = arith.constant 1 : i32
    %shift_right_logical3A_12 = arith.shrui %shift_right_logical3A_10, %shift_right_logical3A_11 : i32
    %add3A_13 = arith.addi %mul3A_2, %shift_right_logical3A_12 : i32
    %and3A_14 = arith.constant 0 : i32
    %and3A_15 = arith.constant 1 : i32
    %and3A_16 = arith.andi %and3A_14, %and3A_15 : i32
    %shift_right_logical3A_17 = arith.constant 3 : i32
    %shift_right_logical3A_18 = arith.shrui %add3A_13, %shift_right_logical3A_17 : i32
    %and3A_19 = arith.constant 7 : i32
    %and3A_20 = arith.andi %add3A_13, %and3A_19 : i32
    %shift_left3A = arith.constant 2 : i32
    %shift_left3A_21 = arith.shli %and3A_16, %shift_left3A : i32
    %dma_start3A = arith.constant 0 : i32
    %dma_start3A_22 = tpu.memref_slice %arg2[%shift_right_logical3A_18, %shift_left3A_21, %and3A_20, %dma_start3A] : memref<128x8x8x128xi32, #tpu.memory_space<hbm>> -> memref<1x4x1x128xi32, #tpu.memory_space<hbm>>
    %dma_start3A_23 = tpu.memref_squeeze %dma_start3A_22 : memref<1x4x1x128xi32, #tpu.memory_space<hbm>> -> memref<4x128xi32, #tpu.memory_space<hbm>>
    %dma_start3A_24 = arith.constant 0 : i32
    %dma_start3A_25 = tpu.memref_slice %arg2[%shift_right_logical3A_18, %shift_left3A_21, %and3A_20, %dma_start3A_24] : memref<128x8x8x128xi32, #tpu.memory_space<hbm>> -> memref<1x4x1x128xi32, #tpu.memory_space<hbm>>
    %dma_start3A_26 = tpu.memref_squeeze %dma_start3A_25 : memref<1x4x1x128xi32, #tpu.memory_space<hbm>> -> memref<4x128xi32, #tpu.memory_space<hbm>>
    tpu.enqueue_dma source(%dma_start3A_26 : memref<4x128xi32, #tpu.memory_space<hbm>>) target(%arg6 : memref<4x128xi32, #tpu.memory_space<vmem>>) target_semaphore(%arg17 : memref<!tpu.dma_semaphore, #tpu.memory_space<semaphore_mem>>)
    %dma_wait3A = arith.constant 0 : i32
    %dma_wait3A_27 = arith.constant 0 : i32
    %dma_wait3A_28 = arith.constant 0 : i32
    %dma_wait3A_29 = arith.constant 0 : i32
    %dma_wait3A_30 = tpu.memref_slice %arg2[%dma_wait3A, %dma_wait3A_28, %dma_wait3A_27, %dma_wait3A_29] : memref<128x8x8x128xi32, #tpu.memory_space<hbm>> -> memref<1x4x1x128xi32, #tpu.memory_space<hbm>>
    %dma_wait3A_31 = tpu.memref_squeeze %dma_wait3A_30 : memref<1x4x1x128xi32, #tpu.memory_space<hbm>> -> memref<4x128xi32, #tpu.memory_space<hbm>>
    %dma_wait3A_32 = arith.constant 0 : i32
    %dma_wait3A_33 = arith.constant 0 : i32
    %dma_wait3A_34 = tpu.memref_slice %arg2[%dma_wait3A, %dma_wait3A_32, %dma_wait3A_27, %dma_wait3A_33] : memref<128x8x8x128xi32, #tpu.memory_space<hbm>> -> memref<1x4x1x128xi32, #tpu.memory_space<hbm>>
    %dma_wait3A_35 = tpu.memref_squeeze %dma_wait3A_34 : memref<1x4x1x128xi32, #tpu.memory_space<hbm>> -> memref<4x128xi32, #tpu.memory_space<hbm>>
    tpu.wait_dma2 semaphore(%arg17 : memref<!tpu.dma_semaphore, #tpu.memory_space<semaphore_mem>>) src(%dma_wait3A_35 : memref<4x128xi32, #tpu.memory_space<hbm>>) dst(%arg6 : memref<4x128xi32, #tpu.memory_space<vmem>>)
    %dma_start3A_36 = arith.constant 0 : i32
    %dma_start3A_37 = arith.constant 0 : i32
    %dma_start3A_38 = arith.constant 0 : i32
    %dma_start3A_39 = tpu.memref_slice %arg8[%dma_start3A_37, %dma_start3A_38] : memref<512x32xf32, #tpu.memory_space<vmem>> -> memref<128x32xf32, #tpu.memory_space<vmem>>
    %dma_start3A_40 = arith.constant 0 : i32
    %dma_start3A_41 = tpu.memref_slice %arg6[%dma_start3A_36, %dma_start3A_40] : memref<4x128xi32, #tpu.memory_space<vmem>> -> memref<1x128xi32, #tpu.memory_space<vmem>>
    %dma_start3A_42 = tpu.memref_squeeze %dma_start3A_41 : memref<1x128xi32, #tpu.memory_space<vmem>> -> memref<128xi32, #tpu.memory_space<vmem>>
    %dma_start3A_43 = arith.constant 0 : i32
    %dma_start3A_44 = arith.constant 0 : i32
    %dma_start3A_45 = tpu.memref_slice %arg3[%dma_start3A_43, %dma_start3A_44] : memref<100000x32xf32, #tpu.memory_space<hbm>> -> memref<100000x32xf32, #tpu.memory_space<hbm>>
    tpu.enqueue_indirect_dma source(%dma_start3A_45 : memref<100000x32xf32, #tpu.memory_space<hbm>>) target(%dma_start3A_39 : memref<128x32xf32, #tpu.memory_space<vmem>>) offsets(%dma_start3A_42 : memref<128xi32, #tpu.memory_space<vmem>>) semaphore(%arg13 : memref<!tpu.dma_semaphore, #tpu.memory_space<semaphore_mem>>)
    %dma_start3A_46 = arith.constant 1 : i32
    %dma_start3A_47 = arith.constant 128 : i32
    %dma_start3A_48 = arith.constant 0 : i32
    %dma_start3A_49 = tpu.memref_slice %arg8[%dma_start3A_47, %dma_start3A_48] : memref<512x32xf32, #tpu.memory_space<vmem>> -> memref<128x32xf32, #tpu.memory_space<vmem>>
    %dma_start3A_50 = arith.constant 0 : i32
    %dma_start3A_51 = tpu.memref_slice %arg6[%dma_start3A_46, %dma_start3A_50] : memref<4x128xi32, #tpu.memory_space<vmem>> -> memref<1x128xi32, #tpu.memory_space<vmem>>
    %dma_start3A_52 = tpu.memref_squeeze %dma_start3A_51 : memref<1x128xi32, #tpu.memory_space<vmem>> -> memref<128xi32, #tpu.memory_space<vmem>>
    %dma_start3A_53 = arith.constant 0 : i32
    %dma_start3A_54 = arith.constant 0 : i32
    %dma_start3A_55 = tpu.memref_slice %arg3[%dma_start3A_53, %dma_start3A_54] : memref<100000x32xf32, #tpu.memory_space<hbm>> -> memref<100000x32xf32, #tpu.memory_space<hbm>>
    tpu.enqueue_indirect_dma source(%dma_start3A_55 : memref<100000x32xf32, #tpu.memory_space<hbm>>) target(%dma_start3A_49 : memref<128x32xf32, #tpu.memory_space<vmem>>) offsets(%dma_start3A_52 : memref<128xi32, #tpu.memory_space<vmem>>) semaphore(%arg13 : memref<!tpu.dma_semaphore, #tpu.memory_space<semaphore_mem>>)
    %dma_start3A_56 = arith.constant 2 : i32
    %dma_start3A_57 = arith.constant 256 : i32
    %dma_start3A_58 = arith.constant 0 : i32
    %dma_start3A_59 = tpu.memref_slice %arg8[%dma_start3A_57, %dma_start3A_58] : memref<512x32xf32, #tpu.memory_space<vmem>> -> memref<128x32xf32, #tpu.memory_space<vmem>>
    %dma_start3A_60 = arith.constant 0 : i32
    %dma_start3A_61 = tpu.memref_slice %arg6[%dma_start3A_56, %dma_start3A_60] : memref<4x128xi32, #tpu.memory_space<vmem>> -> memref<1x128xi32, #tpu.memory_space<vmem>>
    %dma_start3A_62 = tpu.memref_squeeze %dma_start3A_61 : memref<1x128xi32, #tpu.memory_space<vmem>> -> memref<128xi32, #tpu.memory_space<vmem>>
    %dma_start3A_63 = arith.constant 0 : i32
    %dma_start3A_64 = arith.constant 0 : i32
    %dma_start3A_65 = tpu.memref_slice %arg3[%dma_start3A_63, %dma_start3A_64] : memref<100000x32xf32, #tpu.memory_space<hbm>> -> memref<100000x32xf32, #tpu.memory_space<hbm>>
    tpu.enqueue_indirect_dma source(%dma_start3A_65 : memref<100000x32xf32, #tpu.memory_space<hbm>>) target(%dma_start3A_59 : memref<128x32xf32, #tpu.memory_space<vmem>>) offsets(%dma_start3A_62 : memref<128xi32, #tpu.memory_space<vmem>>) semaphore(%arg13 : memref<!tpu.dma_semaphore, #tpu.memory_space<semaphore_mem>>)
    %dma_start3A_66 = arith.constant 3 : i32
    %dma_start3A_67 = arith.constant 384 : i32
    %dma_start3A_68 = arith.constant 0 : i32
    %dma_start3A_69 = tpu.memref_slice %arg8[%dma_start3A_67, %dma_start3A_68] : memref<512x32xf32, #tpu.memory_space<vmem>> -> memref<128x32xf32, #tpu.memory_space<vmem>>
    %dma_start3A_70 = arith.constant 0 : i32
    %dma_start3A_71 = tpu.memref_slice %arg6[%dma_start3A_66, %dma_start3A_70] : memref<4x128xi32, #tpu.memory_space<vmem>> -> memref<1x128xi32, #tpu.memory_space<vmem>>
    %dma_start3A_72 = tpu.memref_squeeze %dma_start3A_71 : memref<1x128xi32, #tpu.memory_space<vmem>> -> memref<128xi32, #tpu.memory_space<vmem>>
    %dma_start3A_73 = arith.constant 0 : i32
    %dma_start3A_74 = arith.constant 0 : i32
    %dma_start3A_75 = tpu.memref_slice %arg3[%dma_start3A_73, %dma_start3A_74] : memref<100000x32xf32, #tpu.memory_space<hbm>> -> memref<100000x32xf32, #tpu.memory_space<hbm>>
    tpu.enqueue_indirect_dma source(%dma_start3A_75 : memref<100000x32xf32, #tpu.memory_space<hbm>>) target(%dma_start3A_69 : memref<128x32xf32, #tpu.memory_space<vmem>>) offsets(%dma_start3A_72 : memref<128xi32, #tpu.memory_space<vmem>>) semaphore(%arg13 : memref<!tpu.dma_semaphore, #tpu.memory_space<semaphore_mem>>)
    %shift_right_logical3A_76 = arith.constant 1 : i32
    %shift_right_logical3A_77 = arith.constant 1 : i32
    %shift_right_logical3A_78 = arith.shrui %shift_right_logical3A_76, %shift_right_logical3A_77 : i32
    %add3A_79 = arith.addi %mul3A_2, %shift_right_logical3A_78 : i32
    %and3A_80 = arith.constant 1 : i32
    %and3A_81 = arith.constant 1 : i32
    %and3A_82 = arith.andi %and3A_80, %and3A_81 : i32
    %shift_right_logical3A_83 = arith.constant 3 : i32
    %shift_right_logical3A_84 = arith.shrui %add3A_79, %shift_right_logical3A_83 : i32
    %and3A_85 = arith.constant 7 : i32
    %and3A_86 = arith.andi %add3A_79, %and3A_85 : i32
    %shift_left3A_87 = arith.constant 2 : i32
    %shift_left3A_88 = arith.shli %and3A_82, %shift_left3A_87 : i32
    %dma_start3A_89 = arith.constant 0 : i32
    %dma_start3A_90 = tpu.memref_slice %arg2[%shift_right_logical3A_84, %shift_left3A_88, %and3A_86, %dma_start3A_89] : memref<128x8x8x128xi32, #tpu.memory_space<hbm>> -> memref<1x4x1x128xi32, #tpu.memory_space<hbm>>
    %dma_start3A_91 = tpu.memref_squeeze %dma_start3A_90 : memref<1x4x1x128xi32, #tpu.memory_space<hbm>> -> memref<4x128xi32, #tpu.memory_space<hbm>>
    %dma_start3A_92 = arith.constant 0 : i32
    %dma_start3A_93 = tpu.memref_slice %arg2[%shift_right_logical3A_84, %shift_left3A_88, %and3A_86, %dma_start3A_92] : memref<128x8x8x128xi32, #tpu.memory_space<hbm>> -> memref<1x4x1x128xi32, #tpu.memory_space<hbm>>
    %dma_start3A_94 = tpu.memref_squeeze %dma_start3A_93 : memref<1x4x1x128xi32, #tpu.memory_space<hbm>> -> memref<4x128xi32, #tpu.memory_space<hbm>>
    tpu.enqueue_dma source(%dma_start3A_94 : memref<4x128xi32, #tpu.memory_space<hbm>>) target(%arg7 : memref<4x128xi32, #tpu.memory_space<vmem>>) target_semaphore(%arg18 : memref<!tpu.dma_semaphore, #tpu.memory_space<semaphore_mem>>)
    %scan3A = arith.constant 0 : i32
    %scan3A_95 = arith.constant 0 : i32
    %scan3A_96 = arith.constant 0 : i32
    %scan3A_97 = arith.constant 32 : i32
    %scan3A_98 = arith.addi %scan3A_96, %scan3A_97 : i32
    %scan3A_99 = arith.constant 1 : i32
    scf.for %scan3A_167 = %scan3A_96 to %scan3A_98 step %scan3A_99  : i32 {
      %mul3A_168 = arith.constant 2 : i32
      %mul3A_169 = arith.muli %scan3A_167, %mul3A_168 : i32
      %add3A_170 = arith.constant 0 : i32
      %add3A_171 = arith.addi %mul3A_169, %add3A_170 : i32
      %add3A_172 = arith.constant 1 : i32
      %add3A_173 = arith.addi %add3A_171, %add3A_172 : i32
      %lt3A = arith.constant 64 : i32
      %lt3A_174 = arith.cmpi slt, %add3A_173, %lt3A : i32
      %convert_element_type3A = arith.extui %lt3A_174 : i1 to i32
      %cond3A = arith.constant 0 : i32
      %cond3A_175 = arith.cmpi ne, %convert_element_type3A, %cond3A : i32
      scf.if %cond3A_175 {
        %dma_wait3A_305 = arith.constant 0 : i32
        %dma_wait3A_306 = arith.constant 0 : i32
        %dma_wait3A_307 = arith.constant 0 : i32
        %dma_wait3A_308 = arith.constant 0 : i32
        %dma_wait3A_309 = tpu.memref_slice %arg2[%dma_wait3A_305, %dma_wait3A_307, %dma_wait3A_306, %dma_wait3A_308] : memref<128x8x8x128xi32, #tpu.memory_space<hbm>> -> memref<1x4x1x128xi32, #tpu.memory_space<hbm>>
        %dma_wait3A_310 = tpu.memref_squeeze %dma_wait3A_309 : memref<1x4x1x128xi32, #tpu.memory_space<hbm>> -> memref<4x128xi32, #tpu.memory_space<hbm>>
        %dma_wait3A_311 = arith.constant 0 : i32
        %dma_wait3A_312 = arith.constant 0 : i32
        %dma_wait3A_313 = tpu.memref_slice %arg2[%dma_wait3A_305, %dma_wait3A_311, %dma_wait3A_306, %dma_wait3A_312] : memref<128x8x8x128xi32, #tpu.memory_space<hbm>> -> memref<1x4x1x128xi32, #tpu.memory_space<hbm>>
        %dma_wait3A_314 = tpu.memref_squeeze %dma_wait3A_313 : memref<1x4x1x128xi32, #tpu.memory_space<hbm>> -> memref<4x128xi32, #tpu.memory_space<hbm>>
        tpu.wait_dma2 semaphore(%arg18 : memref<!tpu.dma_semaphore, #tpu.memory_space<semaphore_mem>>) src(%dma_wait3A_314 : memref<4x128xi32, #tpu.memory_space<hbm>>) dst(%arg7 : memref<4x128xi32, #tpu.memory_space<vmem>>)
        %dma_start3A_315 = arith.constant 0 : i32
        %dma_start3A_316 = arith.constant 0 : i32
        %dma_start3A_317 = arith.constant 0 : i32
        %dma_start3A_318 = tpu.memref_slice %arg9[%dma_start3A_316, %dma_start3A_317] : memref<512x32xf32, #tpu.memory_space<vmem>> -> memref<128x32xf32, #tpu.memory_space<vmem>>
        %dma_start3A_319 = arith.constant 0 : i32
        %dma_start3A_320 = tpu.memref_slice %arg7[%dma_start3A_315, %dma_start3A_319] : memref<4x128xi32, #tpu.memory_space<vmem>> -> memref<1x128xi32, #tpu.memory_space<vmem>>
        %dma_start3A_321 = tpu.memref_squeeze %dma_start3A_320 : memref<1x128xi32, #tpu.memory_space<vmem>> -> memref<128xi32, #tpu.memory_space<vmem>>
        %dma_start3A_322 = arith.constant 0 : i32
        %dma_start3A_323 = arith.constant 0 : i32
        %dma_start3A_324 = tpu.memref_slice %arg3[%dma_start3A_322, %dma_start3A_323] : memref<100000x32xf32, #tpu.memory_space<hbm>> -> memref<100000x32xf32, #tpu.memory_space<hbm>>
        tpu.enqueue_indirect_dma source(%dma_start3A_324 : memref<100000x32xf32, #tpu.memory_space<hbm>>) target(%dma_start3A_318 : memref<128x32xf32, #tpu.memory_space<vmem>>) offsets(%dma_start3A_321 : memref<128xi32, #tpu.memory_space<vmem>>) semaphore(%arg14 : memref<!tpu.dma_semaphore, #tpu.memory_space<semaphore_mem>>)
        %dma_start3A_325 = arith.constant 1 : i32
        %dma_start3A_326 = arith.constant 128 : i32
        %dma_start3A_327 = arith.constant 0 : i32
        %dma_start3A_328 = tpu.memref_slice %arg9[%dma_start3A_326, %dma_start3A_327] : memref<512x32xf32, #tpu.memory_space<vmem>> -> memref<128x32xf32, #tpu.memory_space<vmem>>
        %dma_start3A_329 = arith.constant 0 : i32
        %dma_start3A_330 = tpu.memref_slice %arg7[%dma_start3A_325, %dma_start3A_329] : memref<4x128xi32, #tpu.memory_space<vmem>> -> memref<1x128xi32, #tpu.memory_space<vmem>>
        %dma_start3A_331 = tpu.memref_squeeze %dma_start3A_330 : memref<1x128xi32, #tpu.memory_space<vmem>> -> memref<128xi32, #tpu.memory_space<vmem>>
        %dma_start3A_332 = arith.constant 0 : i32
        %dma_start3A_333 = arith.constant 0 : i32
        %dma_start3A_334 = tpu.memref_slice %arg3[%dma_start3A_332, %dma_start3A_333] : memref<100000x32xf32, #tpu.memory_space<hbm>> -> memref<100000x32xf32, #tpu.memory_space<hbm>>
        tpu.enqueue_indirect_dma source(%dma_start3A_334 : memref<100000x32xf32, #tpu.memory_space<hbm>>) target(%dma_start3A_328 : memref<128x32xf32, #tpu.memory_space<vmem>>) offsets(%dma_start3A_331 : memref<128xi32, #tpu.memory_space<vmem>>) semaphore(%arg14 : memref<!tpu.dma_semaphore, #tpu.memory_space<semaphore_mem>>)
        %dma_start3A_335 = arith.constant 2 : i32
        %dma_start3A_336 = arith.constant 256 : i32
        %dma_start3A_337 = arith.constant 0 : i32
        %dma_start3A_338 = tpu.memref_slice %arg9[%dma_start3A_336, %dma_start3A_337] : memref<512x32xf32, #tpu.memory_space<vmem>> -> memref<128x32xf32, #tpu.memory_space<vmem>>
        %dma_start3A_339 = arith.constant 0 : i32
        %dma_start3A_340 = tpu.memref_slice %arg7[%dma_start3A_335, %dma_start3A_339] : memref<4x128xi32, #tpu.memory_space<vmem>> -> memref<1x128xi32, #tpu.memory_space<vmem>>
        %dma_start3A_341 = tpu.memref_squeeze %dma_start3A_340 : memref<1x128xi32, #tpu.memory_space<vmem>> -> memref<128xi32, #tpu.memory_space<vmem>>
        %dma_start3A_342 = arith.constant 0 : i32
        %dma_start3A_343 = arith.constant 0 : i32
        %dma_start3A_344 = tpu.memref_slice %arg3[%dma_start3A_342, %dma_start3A_343] : memref<100000x32xf32, #tpu.memory_space<hbm>> -> memref<100000x32xf32, #tpu.memory_space<hbm>>
        tpu.enqueue_indirect_dma source(%dma_start3A_344 : memref<100000x32xf32, #tpu.memory_space<hbm>>) target(%dma_start3A_338 : memref<128x32xf32, #tpu.memory_space<vmem>>) offsets(%dma_start3A_341 : memref<128xi32, #tpu.memory_space<vmem>>) semaphore(%arg14 : memref<!tpu.dma_semaphore, #tpu.memory_space<semaphore_mem>>)
        %dma_start3A_345 = arith.constant 3 : i32
        %dma_start3A_346 = arith.constant 384 : i32
        %dma_start3A_347 = arith.constant 0 : i32
        %dma_start3A_348 = tpu.memref_slice %arg9[%dma_start3A_346, %dma_start3A_347] : memref<512x32xf32, #tpu.memory_space<vmem>> -> memref<128x32xf32, #tpu.memory_space<vmem>>
        %dma_start3A_349 = arith.constant 0 : i32
        %dma_start3A_350 = tpu.memref_slice %arg7[%dma_start3A_345, %dma_start3A_349] : memref<4x128xi32, #tpu.memory_space<vmem>> -> memref<1x128xi32, #tpu.memory_space<vmem>>
        %dma_start3A_351 = tpu.memref_squeeze %dma_start3A_350 : memref<1x128xi32, #tpu.memory_space<vmem>> -> memref<128xi32, #tpu.memory_space<vmem>>
        %dma_start3A_352 = arith.constant 0 : i32
        %dma_start3A_353 = arith.constant 0 : i32
        %dma_start3A_354 = tpu.memref_slice %arg3[%dma_start3A_352, %dma_start3A_353] : memref<100000x32xf32, #tpu.memory_space<hbm>> -> memref<100000x32xf32, #tpu.memory_space<hbm>>
        tpu.enqueue_indirect_dma source(%dma_start3A_354 : memref<100000x32xf32, #tpu.memory_space<hbm>>) target(%dma_start3A_348 : memref<128x32xf32, #tpu.memory_space<vmem>>) offsets(%dma_start3A_351 : memref<128xi32, #tpu.memory_space<vmem>>) semaphore(%arg14 : memref<!tpu.dma_semaphore, #tpu.memory_space<semaphore_mem>>)
      } else {
      }
      %dma_wait3A_176 = arith.constant 0 : i32
      %dma_wait3A_177 = arith.constant 0 : i32
      %dma_wait3A_178 = tpu.memref_slice %arg3[%dma_wait3A_176, %dma_wait3A_177] : memref<100000x32xf32, #tpu.memory_space<hbm>> -> memref<512x32xf32, #tpu.memory_space<hbm>>
      %dma_wait3A_179 = arith.constant 0 : i32
      %dma_wait3A_180 = arith.constant 0 : i32
      %dma_wait3A_181 = tpu.memref_slice %arg3[%dma_wait3A_179, %dma_wait3A_180] : memref<100000x32xf32, #tpu.memory_space<hbm>> -> memref<512x32xf32, #tpu.memory_space<hbm>>
      tpu.wait_dma2 semaphore(%arg13 : memref<!tpu.dma_semaphore, #tpu.memory_space<semaphore_mem>>) src(%dma_wait3A_181 : memref<512x32xf32, #tpu.memory_space<hbm>>) dst(%arg8 : memref<512x32xf32, #tpu.memory_space<vmem>>)
      %add3A_182 = arith.constant 2 : i32
      %add3A_183 = arith.addi %add3A_171, %add3A_182 : i32
      %lt3A_184 = arith.constant 64 : i32
      %lt3A_185 = arith.cmpi slt, %add3A_183, %lt3A_184 : i32
      %convert_element_type3A_186 = arith.extui %lt3A_185 : i1 to i32
      %cond3A_187 = arith.constant 0 : i32
      %cond3A_188 = arith.cmpi ne, %convert_element_type3A_186, %cond3A_187 : i32
      scf.if %cond3A_188 {
        %add3A_305 = arith.constant 2 : i32
        %add3A_306 = arith.addi %add3A_171, %add3A_305 : i32
        %shift_right_logical3A_307 = arith.constant 1 : i32
        %shift_right_logical3A_308 = arith.shrui %add3A_306, %shift_right_logical3A_307 : i32
        %add3A_309 = arith.addi %mul3A_2, %shift_right_logical3A_308 : i32
        %and3A_310 = arith.constant 1 : i32
        %and3A_311 = arith.andi %add3A_306, %and3A_310 : i32
        %shift_right_logical3A_312 = arith.constant 3 : i32
        %shift_right_logical3A_313 = arith.shrui %add3A_309, %shift_right_logical3A_312 : i32
        %and3A_314 = arith.constant 7 : i32
        %and3A_315 = arith.andi %add3A_309, %and3A_314 : i32
        %shift_left3A_316 = arith.constant 2 : i32
        %shift_left3A_317 = arith.shli %and3A_311, %shift_left3A_316 : i32
        %dma_start3A_318 = arith.constant 0 : i32
        %dma_start3A_319 = tpu.memref_slice %arg2[%shift_right_logical3A_313, %shift_left3A_317, %and3A_315, %dma_start3A_318] : memref<128x8x8x128xi32, #tpu.memory_space<hbm>> -> memref<1x4x1x128xi32, #tpu.memory_space<hbm>>
        %dma_start3A_320 = tpu.memref_squeeze %dma_start3A_319 : memref<1x4x1x128xi32, #tpu.memory_space<hbm>> -> memref<4x128xi32, #tpu.memory_space<hbm>>
        %dma_start3A_321 = arith.constant 0 : i32
        %dma_start3A_322 = tpu.memref_slice %arg2[%shift_right_logical3A_313, %shift_left3A_317, %and3A_315, %dma_start3A_321] : memref<128x8x8x128xi32, #tpu.memory_space<hbm>> -> memref<1x4x1x128xi32, #tpu.memory_space<hbm>>
        %dma_start3A_323 = tpu.memref_squeeze %dma_start3A_322 : memref<1x4x1x128xi32, #tpu.memory_space<hbm>> -> memref<4x128xi32, #tpu.memory_space<hbm>>
        tpu.enqueue_dma source(%dma_start3A_323 : memref<4x128xi32, #tpu.memory_space<hbm>>) target(%arg6 : memref<4x128xi32, #tpu.memory_space<vmem>>) target_semaphore(%arg17 : memref<!tpu.dma_semaphore, #tpu.memory_space<semaphore_mem>>)
      } else {
      }
      %ge3A = arith.constant 2 : i32
      %ge3A_189 = arith.cmpi sge, %add3A_171, %ge3A : i32
      %convert_element_type3A_190 = arith.extui %ge3A_189 : i1 to i32
      %cond3A_191 = arith.constant 0 : i32
      %cond3A_192 = arith.cmpi ne, %convert_element_type3A_190, %cond3A_191 : i32
      scf.if %cond3A_192 {
        %dma_wait3A_305 = arith.constant 0 : i32
        %dma_wait3A_306 = arith.constant 0 : i32
        %dma_wait3A_307 = arith.constant 0 : i32
        %dma_wait3A_308 = arith.constant 0 : i32
        %dma_wait3A_309 = tpu.memref_slice %arg10[%dma_wait3A_305, %dma_wait3A_306, %dma_wait3A_307, %dma_wait3A_308] : memref<4x4x8x133xf32, #tpu.memory_space<vmem>> -> memref<4x4x8x128xf32, #tpu.memory_space<vmem>>
        %dma_wait3A_310 = arith.constant 0 : i32
        %dma_wait3A_311 = arith.constant 0 : i32
        %dma_wait3A_312 = arith.constant 0 : i32
        %dma_wait3A_313 = arith.constant 0 : i32
        %dma_wait3A_314 = tpu.memref_slice %arg5[%scan3A_95, %dma_wait3A_310, %dma_wait3A_311, %dma_wait3A_312, %dma_wait3A_313] : memref<1024x4x8x8x128xf32, #tpu.memory_space<hbm>> -> memref<1x4x8x8x128xf32, #tpu.memory_space<hbm>>
        %dma_wait3A_315 = tpu.memref_squeeze %dma_wait3A_314 : memref<1x4x8x8x128xf32, #tpu.memory_space<hbm>> -> memref<4x8x8x128xf32, #tpu.memory_space<hbm>>
        %dma_wait3A_316 = arith.constant 0 : i32
        %dma_wait3A_317 = arith.constant 0 : i32
        %dma_wait3A_318 = arith.constant 0 : i32
        %dma_wait3A_319 = arith.constant 0 : i32
        %dma_wait3A_320 = tpu.memref_slice %dma_wait3A_315[%dma_wait3A_316, %dma_wait3A_317, %dma_wait3A_318, %dma_wait3A_319] : memref<4x8x8x128xf32, #tpu.memory_space<hbm>> -> memref<4x4x8x128xf32, #tpu.memory_space<hbm>>
        %dma_wait3A_321 = arith.constant 0 : i32
        %dma_wait3A_322 = arith.constant 0 : i32
        %dma_wait3A_323 = arith.constant 0 : i32
        %dma_wait3A_324 = arith.constant 0 : i32
        %dma_wait3A_325 = tpu.memref_slice %arg5[%scan3A_95, %dma_wait3A_321, %dma_wait3A_322, %dma_wait3A_323, %dma_wait3A_324] : memref<1024x4x8x8x128xf32, #tpu.memory_space<hbm>> -> memref<1x4x8x8x128xf32, #tpu.memory_space<hbm>>
        %dma_wait3A_326 = tpu.memref_squeeze %dma_wait3A_325 : memref<1x4x8x8x128xf32, #tpu.memory_space<hbm>> -> memref<4x8x8x128xf32, #tpu.memory_space<hbm>>
        %dma_wait3A_327 = arith.constant 0 : i32
        %dma_wait3A_328 = arith.constant 0 : i32
        %dma_wait3A_329 = arith.constant 0 : i32
        %dma_wait3A_330 = arith.constant 0 : i32
        %dma_wait3A_331 = tpu.memref_slice %dma_wait3A_326[%dma_wait3A_327, %dma_wait3A_328, %dma_wait3A_329, %dma_wait3A_330] : memref<4x8x8x128xf32, #tpu.memory_space<hbm>> -> memref<4x4x8x128xf32, #tpu.memory_space<hbm>>
        %dma_wait3A_332 = arith.constant 0 : i32
        %dma_wait3A_333 = arith.constant 0 : i32
        %dma_wait3A_334 = arith.constant 0 : i32
        %dma_wait3A_335 = arith.constant 0 : i32
        %dma_wait3A_336 = tpu.memref_slice %arg10[%dma_wait3A_332, %dma_wait3A_333, %dma_wait3A_334, %dma_wait3A_335] : memref<4x4x8x133xf32, #tpu.memory_space<vmem>> -> memref<4x4x8x128xf32, #tpu.memory_space<vmem>>
        tpu.wait_dma2 semaphore(%arg15 : memref<!tpu.dma_semaphore, #tpu.memory_space<semaphore_mem>>) src(%dma_wait3A_336 : memref<4x4x8x128xf32, #tpu.memory_space<vmem>>) dst(%dma_wait3A_331 : memref<4x4x8x128xf32, #tpu.memory_space<hbm>>)
      } else {
      }
      %and3A_193 = arith.constant 1 : i32
      %and3A_194 = arith.andi %add3A_171, %and3A_193 : i32
      %shift_left3A_195 = arith.constant 9 : i32
      %shift_left3A_196 = arith.shli %and3A_194, %shift_left3A_195 : i32
      %parallel_loop3A = arith.constant 0 : i32
      %parallel_loop3A_197 = arith.constant 512 : i32
      %parallel_loop3A_198 = arith.constant 1 : i32
      scf.for %parallel_loop3A_305 = %parallel_loop3A to %parallel_loop3A_197 step %parallel_loop3A_198  : i32 {
        %parallel_loop3A_306 = arith.constant 7 : i32
        %parallel_loop3A_307 = arith.shrui %parallel_loop3A_305, %parallel_loop3A_306 : i32
        %parallel_loop3A_308 = arith.constant 127 : i32
        %parallel_loop3A_309 = arith.andi %parallel_loop3A_305, %parallel_loop3A_308 : i32
        %parallel_loop3A_310 = vector.broadcast %parallel_loop3A_307 : i32 to vector<16xi32>
        %parallel_loop3A_311 = vector.broadcast %parallel_loop3A_309 : i32 to vector<16xi32>
        %parallel_loop3A_312 = arith.addi %shift_left3A_196, %parallel_loop3A_305 : i32
        %parallel_loop3A_313 = arith.index_cast %parallel_loop3A_305 : i32 to index
        %parallel_loop3A_314 = arith.constant 0 : index
        %parallel_loop3A_315 = tpu.vector_load %arg8[%parallel_loop3A_313, %parallel_loop3A_314] {strides = array<i32>} : memref<512x32xf32, #tpu.memory_space<vmem>>, vector<16xf32>,
        %parallel_loop3A_316 = arith.index_cast %parallel_loop3A_312 : i32 to index
        %parallel_loop3A_317 = arith.constant 0 : index
        %parallel_loop3A_318 = tpu.vector_load %arg12[%parallel_loop3A_316, %parallel_loop3A_317] {strides = array<i32>} : memref<1024x32xf32, #tpu.memory_space<vmem>>, vector<16xf32>,
        %parallel_loop3A_319 = arith.addf %parallel_loop3A_315, %parallel_loop3A_318 : vector<16xf32>
        %parallel_loop3A_320 = arith.index_cast %parallel_loop3A_305 : i32 to index
        %parallel_loop3A_321 = arith.constant 16 : index
        %parallel_loop3A_322 = tpu.vector_load %arg8[%parallel_loop3A_320, %parallel_loop3A_321] {strides = array<i32>} : memref<512x32xf32, #tpu.memory_space<vmem>>, vector<16xf32>,
        %parallel_loop3A_323 = arith.index_cast %parallel_loop3A_312 : i32 to index
        %parallel_loop3A_324 = arith.constant 16 : index
        %parallel_loop3A_325 = tpu.vector_load %arg12[%parallel_loop3A_323, %parallel_loop3A_324] {strides = array<i32>} : memref<1024x32xf32, #tpu.memory_space<vmem>>, vector<16xf32>,
        %parallel_loop3A_326 = arith.addf %parallel_loop3A_322, %parallel_loop3A_325 : vector<16xf32>
        tpu.vector_store_idx %arg10[%shift_right_logical3A_4, %parallel_loop3A_310, %and3A_9, %parallel_loop3A_311], %parallel_loop3A_319 : memref<4x4x8x133xf32, #tpu.memory_space<vmem>>[vector<16xi32>, vector<16xi32>, vector<16xi32>, vector<16xi32>], vector<16xf32>,
        tpu.vector_store_idx %arg10[%add3A_7, %parallel_loop3A_310, %and3A_9, %parallel_loop3A_311], %parallel_loop3A_326 : memref<4x4x8x133xf32, #tpu.memory_space<vmem>>[vector<16xi32>, vector<16xi32>, vector<16xi32>, vector<16xi32>], vector<16xf32>,
      } {sc.loop_unroll_factor = 8 : i64, sc.parallel_access}
      %shift_right_logical3A_199 = arith.constant 1 : i32
      %shift_right_logical3A_200 = arith.shrui %add3A_171, %shift_right_logical3A_199 : i32
      %add3A_201 = arith.addi %mul3A_2, %shift_right_logical3A_200 : i32
      %shift_left3A_202 = arith.constant 2 : i32
      %shift_left3A_203 = arith.shli %and3A_194, %shift_left3A_202 : i32
      %dma_start3A_204 = arith.constant 0 : i32
      %dma_start3A_205 = arith.constant 0 : i32
      %dma_start3A_206 = arith.constant 0 : i32
      %dma_start3A_207 = arith.constant 0 : i32
      %dma_start3A_208 = tpu.memref_slice %arg10[%dma_start3A_204, %dma_start3A_205, %dma_start3A_206, %dma_start3A_207] : memref<4x4x8x133xf32, #tpu.memory_space<vmem>> -> memref<4x4x8x128xf32, #tpu.memory_space<vmem>>
      %dma_start3A_209 = arith.constant 0 : i32
      %dma_start3A_210 = arith.constant 0 : i32
      %dma_start3A_211 = arith.constant 0 : i32
      %dma_start3A_212 = arith.constant 0 : i32
      %dma_start3A_213 = tpu.memref_slice %arg5[%add3A_201, %dma_start3A_209, %dma_start3A_210, %dma_start3A_211, %dma_start3A_212] : memref<1024x4x8x8x128xf32, #tpu.memory_space<hbm>> -> memref<1x4x8x8x128xf32, #tpu.memory_space<hbm>>
      %dma_start3A_214 = tpu.memref_squeeze %dma_start3A_213 : memref<1x4x8x8x128xf32, #tpu.memory_space<hbm>> -> memref<4x8x8x128xf32, #tpu.memory_space<hbm>>
      %dma_start3A_215 = arith.constant 0 : i32
      %dma_start3A_216 = arith.constant 0 : i32
      %dma_start3A_217 = arith.constant 0 : i32
      %dma_start3A_218 = tpu.memref_slice %dma_start3A_214[%dma_start3A_215, %shift_left3A_203, %dma_start3A_216, %dma_start3A_217] : memref<4x8x8x128xf32, #tpu.memory_space<hbm>> -> memref<4x4x8x128xf32, #tpu.memory_space<hbm>>
      %dma_start3A_219 = arith.constant 0 : i32
      %dma_start3A_220 = arith.constant 0 : i32
      %dma_start3A_221 = arith.constant 0 : i32
      %dma_start3A_222 = arith.constant 0 : i32
      %dma_start3A_223 = tpu.memref_slice %arg5[%add3A_201, %dma_start3A_219, %dma_start3A_220, %dma_start3A_221, %dma_start3A_222] : memref<1024x4x8x8x128xf32, #tpu.memory_space<hbm>> -> memref<1x4x8x8x128xf32, #tpu.memory_space<hbm>>
      %dma_start3A_224 = tpu.memref_squeeze %dma_start3A_223 : memref<1x4x8x8x128xf32, #tpu.memory_space<hbm>> -> memref<4x8x8x128xf32, #tpu.memory_space<hbm>>
      %dma_start3A_225 = arith.constant 0 : i32
      %dma_start3A_226 = arith.constant 0 : i32
      %dma_start3A_227 = arith.constant 0 : i32
      %dma_start3A_228 = tpu.memref_slice %dma_start3A_224[%dma_start3A_225, %shift_left3A_203, %dma_start3A_226, %dma_start3A_227] : memref<4x8x8x128xf32, #tpu.memory_space<hbm>> -> memref<4x4x8x128xf32, #tpu.memory_space<hbm>>
      %dma_start3A_229 = arith.constant 0 : i32
      %dma_start3A_230 = arith.constant 0 : i32
      %dma_start3A_231 = arith.constant 0 : i32
      %dma_start3A_232 = arith.constant 0 : i32
      %dma_start3A_233 = tpu.memref_slice %arg10[%dma_start3A_229, %dma_start3A_230, %dma_start3A_231, %dma_start3A_232] : memref<4x4x8x133xf32, #tpu.memory_space<vmem>> -> memref<4x4x8x128xf32, #tpu.memory_space<vmem>>
      tpu.enqueue_dma source(%dma_start3A_233 : memref<4x4x8x128xf32, #tpu.memory_space<vmem>>) target(%dma_start3A_228 : memref<4x4x8x128xf32, #tpu.memory_space<hbm>>) target_semaphore(%arg15 : memref<!tpu.dma_semaphore, #tpu.memory_space<semaphore_mem>>)
      %mul3A_234 = arith.constant 2 : i32
      %mul3A_235 = arith.muli %scan3A_167, %mul3A_234 : i32
      %add3A_236 = arith.constant 1 : i32
      %add3A_237 = arith.addi %mul3A_235, %add3A_236 : i32
      %add3A_238 = arith.constant 1 : i32
      %add3A_239 = arith.addi %add3A_237, %add3A_238 : i32
      %lt3A_240 = arith.constant 64 : i32
      %lt3A_241 = arith.cmpi slt, %add3A_239, %lt3A_240 : i32
      %convert_element_type3A_242 = arith.extui %lt3A_241 : i1 to i32
      %cond3A_243 = arith.constant 0 : i32
      %cond3A_244 = arith.cmpi ne, %convert_element_type3A_242, %cond3A_243 : i32
      scf.if %cond3A_244 {
        %dma_wait3A_305 = arith.constant 0 : i32
        %dma_wait3A_306 = arith.constant 0 : i32
        %dma_wait3A_307 = arith.constant 0 : i32
        %dma_wait3A_308 = arith.constant 0 : i32
        %dma_wait3A_309 = tpu.memref_slice %arg2[%dma_wait3A_305, %dma_wait3A_307, %dma_wait3A_306, %dma_wait3A_308] : memref<128x8x8x128xi32, #tpu.memory_space<hbm>> -> memref<1x4x1x128xi32, #tpu.memory_space<hbm>>
        %dma_wait3A_310 = tpu.memref_squeeze %dma_wait3A_309 : memref<1x4x1x128xi32, #tpu.memory_space<hbm>> -> memref<4x128xi32, #tpu.memory_space<hbm>>
        %dma_wait3A_311 = arith.constant 0 : i32
        %dma_wait3A_312 = arith.constant 0 : i32
        %dma_wait3A_313 = tpu.memref_slice %arg2[%dma_wait3A_305, %dma_wait3A_311, %dma_wait3A_306, %dma_wait3A_312] : memref<128x8x8x128xi32, #tpu.memory_space<hbm>> -> memref<1x4x1x128xi32, #tpu.memory_space<hbm>>
        %dma_wait3A_314 = tpu.memref_squeeze %dma_wait3A_313 : memref<1x4x1x128xi32, #tpu.memory_space<hbm>> -> memref<4x128xi32, #tpu.memory_space<hbm>>
        tpu.wait_dma2 semaphore(%arg17 : memref<!tpu.dma_semaphore, #tpu.memory_space<semaphore_mem>>) src(%dma_wait3A_314 : memref<4x128xi32, #tpu.memory_space<hbm>>) dst(%arg6 : memref<4x128xi32, #tpu.memory_space<vmem>>)
        %dma_start3A_315 = arith.constant 0 : i32
        %dma_start3A_316 = arith.constant 0 : i32
        %dma_start3A_317 = arith.constant 0 : i32
        %dma_start3A_318 = tpu.memref_slice %arg8[%dma_start3A_316, %dma_start3A_317] : memref<512x32xf32, #tpu.memory_space<vmem>> -> memref<128x32xf32, #tpu.memory_space<vmem>>
        %dma_start3A_319 = arith.constant 0 : i32
        %dma_start3A_320 = tpu.memref_slice %arg6[%dma_start3A_315, %dma_start3A_319] : memref<4x128xi32, #tpu.memory_space<vmem>> -> memref<1x128xi32, #tpu.memory_space<vmem>>
        %dma_start3A_321 = tpu.memref_squeeze %dma_start3A_320 : memref<1x128xi32, #tpu.memory_space<vmem>> -> memref<128xi32, #tpu.memory_space<vmem>>
        %dma_start3A_322 = arith.constant 0 : i32
        %dma_start3A_323 = arith.constant 0 : i32
        %dma_start3A_324 = tpu.memref_slice %arg3[%dma_start3A_322, %dma_start3A_323] : memref<100000x32xf32, #tpu.memory_space<hbm>> -> memref<100000x32xf32, #tpu.memory_space<hbm>>
        tpu.enqueue_indirect_dma source(%dma_start3A_324 : memref<100000x32xf32, #tpu.memory_space<hbm>>) target(%dma_start3A_318 : memref<128x32xf32, #tpu.memory_space<vmem>>) offsets(%dma_start3A_321 : memref<128xi32, #tpu.memory_space<vmem>>) semaphore(%arg13 : memref<!tpu.dma_semaphore, #tpu.memory_space<semaphore_mem>>)
        %dma_start3A_325 = arith.constant 1 : i32
        %dma_start3A_326 = arith.constant 128 : i32
        %dma_start3A_327 = arith.constant 0 : i32
        %dma_start3A_328 = tpu.memref_slice %arg8[%dma_start3A_326, %dma_start3A_327] : memref<512x32xf32, #tpu.memory_space<vmem>> -> memref<128x32xf32, #tpu.memory_space<vmem>>
        %dma_start3A_329 = arith.constant 0 : i32
        %dma_start3A_330 = tpu.memref_slice %arg6[%dma_start3A_325, %dma_start3A_329] : memref<4x128xi32, #tpu.memory_space<vmem>> -> memref<1x128xi32, #tpu.memory_space<vmem>>
        %dma_start3A_331 = tpu.memref_squeeze %dma_start3A_330 : memref<1x128xi32, #tpu.memory_space<vmem>> -> memref<128xi32, #tpu.memory_space<vmem>>
        %dma_start3A_332 = arith.constant 0 : i32
        %dma_start3A_333 = arith.constant 0 : i32
        %dma_start3A_334 = tpu.memref_slice %arg3[%dma_start3A_332, %dma_start3A_333] : memref<100000x32xf32, #tpu.memory_space<hbm>> -> memref<100000x32xf32, #tpu.memory_space<hbm>>
        tpu.enqueue_indirect_dma source(%dma_start3A_334 : memref<100000x32xf32, #tpu.memory_space<hbm>>) target(%dma_start3A_328 : memref<128x32xf32, #tpu.memory_space<vmem>>) offsets(%dma_start3A_331 : memref<128xi32, #tpu.memory_space<vmem>>) semaphore(%arg13 : memref<!tpu.dma_semaphore, #tpu.memory_space<semaphore_mem>>)
        %dma_start3A_335 = arith.constant 2 : i32
        %dma_start3A_336 = arith.constant 256 : i32
        %dma_start3A_337 = arith.constant 0 : i32
        %dma_start3A_338 = tpu.memref_slice %arg8[%dma_start3A_336, %dma_start3A_337] : memref<512x32xf32, #tpu.memory_space<vmem>> -> memref<128x32xf32, #tpu.memory_space<vmem>>
        %dma_start3A_339 = arith.constant 0 : i32
        %dma_start3A_340 = tpu.memref_slice %arg6[%dma_start3A_335, %dma_start3A_339] : memref<4x128xi32, #tpu.memory_space<vmem>> -> memref<1x128xi32, #tpu.memory_space<vmem>>
        %dma_start3A_341 = tpu.memref_squeeze %dma_start3A_340 : memref<1x128xi32, #tpu.memory_space<vmem>> -> memref<128xi32, #tpu.memory_space<vmem>>
        %dma_start3A_342 = arith.constant 0 : i32
        %dma_start3A_343 = arith.constant 0 : i32
        %dma_start3A_344 = tpu.memref_slice %arg3[%dma_start3A_342, %dma_start3A_343] : memref<100000x32xf32, #tpu.memory_space<hbm>> -> memref<100000x32xf32, #tpu.memory_space<hbm>>
        tpu.enqueue_indirect_dma source(%dma_start3A_344 : memref<100000x32xf32, #tpu.memory_space<hbm>>) target(%dma_start3A_338 : memref<128x32xf32, #tpu.memory_space<vmem>>) offsets(%dma_start3A_341 : memref<128xi32, #tpu.memory_space<vmem>>) semaphore(%arg13 : memref<!tpu.dma_semaphore, #tpu.memory_space<semaphore_mem>>)
        %dma_start3A_345 = arith.constant 3 : i32
        %dma_start3A_346 = arith.constant 384 : i32
        %dma_start3A_347 = arith.constant 0 : i32
        %dma_start3A_348 = tpu.memref_slice %arg8[%dma_start3A_346, %dma_start3A_347] : memref<512x32xf32, #tpu.memory_space<vmem>> -> memref<128x32xf32, #tpu.memory_space<vmem>>
        %dma_start3A_349 = arith.constant 0 : i32
        %dma_start3A_350 = tpu.memref_slice %arg6[%dma_start3A_345, %dma_start3A_349] : memref<4x128xi32, #tpu.memory_space<vmem>> -> memref<1x128xi32, #tpu.memory_space<vmem>>
        %dma_start3A_351 = tpu.memref_squeeze %dma_start3A_350 : memref<1x128xi32, #tpu.memory_space<vmem>> -> memref<128xi32, #tpu.memory_space<vmem>>
        %dma_start3A_352 = arith.constant 0 : i32
        %dma_start3A_353 = arith.constant 0 : i32
        %dma_start3A_354 = tpu.memref_slice %arg3[%dma_start3A_352, %dma_start3A_353] : memref<100000x32xf32, #tpu.memory_space<hbm>> -> memref<100000x32xf32, #tpu.memory_space<hbm>>
        tpu.enqueue_indirect_dma source(%dma_start3A_354 : memref<100000x32xf32, #tpu.memory_space<hbm>>) target(%dma_start3A_348 : memref<128x32xf32, #tpu.memory_space<vmem>>) offsets(%dma_start3A_351 : memref<128xi32, #tpu.memory_space<vmem>>) semaphore(%arg13 : memref<!tpu.dma_semaphore, #tpu.memory_space<semaphore_mem>>)
      } else {
      }
      %dma_wait3A_245 = arith.constant 0 : i32
      %dma_wait3A_246 = arith.constant 0 : i32
      %dma_wait3A_247 = tpu.memref_slice %arg3[%dma_wait3A_245, %dma_wait3A_246] : memref<100000x32xf32, #tpu.memory_space<hbm>> -> memref<512x32xf32, #tpu.memory_space<hbm>>
      %dma_wait3A_248 = arith.constant 0 : i32
      %dma_wait3A_249 = arith.constant 0 : i32
      %dma_wait3A_250 = tpu.memref_slice %arg3[%dma_wait3A_248, %dma_wait3A_249] : memref<100000x32xf32, #tpu.memory_space<hbm>> -> memref<512x32xf32, #tpu.memory_space<hbm>>
      tpu.wait_dma2 semaphore(%arg14 : memref<!tpu.dma_semaphore, #tpu.memory_space<semaphore_mem>>) src(%dma_wait3A_250 : memref<512x32xf32, #tpu.memory_space<hbm>>) dst(%arg9 : memref<512x32xf32, #tpu.memory_space<vmem>>)
      %add3A_251 = arith.constant 2 : i32
      %add3A_252 = arith.addi %add3A_237, %add3A_251 : i32
      %lt3A_253 = arith.constant 64 : i32
      %lt3A_254 = arith.cmpi slt, %add3A_252, %lt3A_253 : i32
      %convert_element_type3A_255 = arith.extui %lt3A_254 : i1 to i32
      %cond3A_256 = arith.constant 0 : i32
      %cond3A_257 = arith.cmpi ne, %convert_element_type3A_255, %cond3A_256 : i32
      scf.if %cond3A_257 {
        %add3A_305 = arith.constant 2 : i32
        %add3A_306 = arith.addi %add3A_237, %add3A_305 : i32
        %shift_right_logical3A_307 = arith.constant 1 : i32
        %shift_right_logical3A_308 = arith.shrui %add3A_306, %shift_right_logical3A_307 : i32
        %add3A_309 = arith.addi %mul3A_2, %shift_right_logical3A_308 : i32
        %and3A_310 = arith.constant 1 : i32
        %and3A_311 = arith.andi %add3A_306, %and3A_310 : i32
        %shift_right_logical3A_312 = arith.constant 3 : i32
        %shift_right_logical3A_313 = arith.shrui %add3A_309, %shift_right_logical3A_312 : i32
        %and3A_314 = arith.constant 7 : i32
        %and3A_315 = arith.andi %add3A_309, %and3A_314 : i32
        %shift_left3A_316 = arith.constant 2 : i32
        %shift_left3A_317 = arith.shli %and3A_311, %shift_left3A_316 : i32
        %dma_start3A_318 = arith.constant 0 : i32
        %dma_start3A_319 = tpu.memref_slice %arg2[%shift_right_logical3A_313, %shift_left3A_317, %and3A_315, %dma_start3A_318] : memref<128x8x8x128xi32, #tpu.memory_space<hbm>> -> memref<1x4x1x128xi32, #tpu.memory_space<hbm>>
        %dma_start3A_320 = tpu.memref_squeeze %dma_start3A_319 : memref<1x4x1x128xi32, #tpu.memory_space<hbm>> -> memref<4x128xi32, #tpu.memory_space<hbm>>
        %dma_start3A_321 = arith.constant 0 : i32
        %dma_start3A_322 = tpu.memref_slice %arg2[%shift_right_logical3A_313, %shift_left3A_317, %and3A_315, %dma_start3A_321] : memref<128x8x8x128xi32, #tpu.memory_space<hbm>> -> memref<1x4x1x128xi32, #tpu.memory_space<hbm>>
        %dma_start3A_323 = tpu.memref_squeeze %dma_start3A_322 : memref<1x4x1x128xi32, #tpu.memory_space<hbm>> -> memref<4x128xi32, #tpu.memory_space<hbm>>
        tpu.enqueue_dma source(%dma_start3A_323 : memref<4x128xi32, #tpu.memory_space<hbm>>) target(%arg7 : memref<4x128xi32, #tpu.memory_space<vmem>>) target_semaphore(%arg18 : memref<!tpu.dma_semaphore, #tpu.memory_space<semaphore_mem>>)
      } else {
      }
      %ge3A_258 = arith.constant 2 : i32
      %ge3A_259 = arith.cmpi sge, %add3A_237, %ge3A_258 : i32
      %convert_element_type3A_260 = arith.extui %ge3A_259 : i1 to i32
      %cond3A_261 = arith.constant 0 : i32
      %cond3A_262 = arith.cmpi ne, %convert_element_type3A_260, %cond3A_261 : i32
      scf.if %cond3A_262 {
        %dma_wait3A_305 = arith.constant 0 : i32
        %dma_wait3A_306 = arith.constant 0 : i32
        %dma_wait3A_307 = arith.constant 0 : i32
        %dma_wait3A_308 = arith.constant 0 : i32
        %dma_wait3A_309 = tpu.memref_slice %arg11[%dma_wait3A_305, %dma_wait3A_306, %dma_wait3A_307, %dma_wait3A_308] : memref<4x4x8x133xf32, #tpu.memory_space<vmem>> -> memref<4x4x8x128xf32, #tpu.memory_space<vmem>>
        %dma_wait3A_310 = arith.constant 0 : i32
        %dma_wait3A_311 = arith.constant 0 : i32
        %dma_wait3A_312 = arith.constant 0 : i32
        %dma_wait3A_313 = arith.constant 0 : i32
        %dma_wait3A_314 = tpu.memref_slice %arg5[%scan3A_95, %dma_wait3A_310, %dma_wait3A_311, %dma_wait3A_312, %dma_wait3A_313] : memref<1024x4x8x8x128xf32, #tpu.memory_space<hbm>> -> memref<1x4x8x8x128xf32, #tpu.memory_space<hbm>>
        %dma_wait3A_315 = tpu.memref_squeeze %dma_wait3A_314 : memref<1x4x8x8x128xf32, #tpu.memory_space<hbm>> -> memref<4x8x8x128xf32, #tpu.memory_space<hbm>>
        %dma_wait3A_316 = arith.constant 0 : i32
        %dma_wait3A_317 = arith.constant 0 : i32
        %dma_wait3A_318 = arith.constant 0 : i32
        %dma_wait3A_319 = arith.constant 0 : i32
        %dma_wait3A_320 = tpu.memref_slice %dma_wait3A_315[%dma_wait3A_316, %dma_wait3A_317, %dma_wait3A_318, %dma_wait3A_319] : memref<4x8x8x128xf32, #tpu.memory_space<hbm>> -> memref<4x4x8x128xf32, #tpu.memory_space<hbm>>
        %dma_wait3A_321 = arith.constant 0 : i32
        %dma_wait3A_322 = arith.constant 0 : i32
        %dma_wait3A_323 = arith.constant 0 : i32
        %dma_wait3A_324 = arith.constant 0 : i32
        %dma_wait3A_325 = tpu.memref_slice %arg5[%scan3A_95, %dma_wait3A_321, %dma_wait3A_322, %dma_wait3A_323, %dma_wait3A_324] : memref<1024x4x8x8x128xf32, #tpu.memory_space<hbm>> -> memref<1x4x8x8x128xf32, #tpu.memory_space<hbm>>
        %dma_wait3A_326 = tpu.memref_squeeze %dma_wait3A_325 : memref<1x4x8x8x128xf32, #tpu.memory_space<hbm>> -> memref<4x8x8x128xf32, #tpu.memory_space<hbm>>
        %dma_wait3A_327 = arith.constant 0 : i32
        %dma_wait3A_328 = arith.constant 0 : i32
        %dma_wait3A_329 = arith.constant 0 : i32
        %dma_wait3A_330 = arith.constant 0 : i32
        %dma_wait3A_331 = tpu.memref_slice %dma_wait3A_326[%dma_wait3A_327, %dma_wait3A_328, %dma_wait3A_329, %dma_wait3A_330] : memref<4x8x8x128xf32, #tpu.memory_space<hbm>> -> memref<4x4x8x128xf32, #tpu.memory_space<hbm>>
        %dma_wait3A_332 = arith.constant 0 : i32
        %dma_wait3A_333 = arith.constant 0 : i32
        %dma_wait3A_334 = arith.constant 0 : i32
        %dma_wait3A_335 = arith.constant 0 : i32
        %dma_wait3A_336 = tpu.memref_slice %arg11[%dma_wait3A_332, %dma_wait3A_333, %dma_wait3A_334, %dma_wait3A_335] : memref<4x4x8x133xf32, #tpu.memory_space<vmem>> -> memref<4x4x8x128xf32, #tpu.memory_space<vmem>>
        tpu.wait_dma2 semaphore(%arg16 : memref<!tpu.dma_semaphore, #tpu.memory_space<semaphore_mem>>) src(%dma_wait3A_336 : memref<4x4x8x128xf32, #tpu.memory_space<vmem>>) dst(%dma_wait3A_331 : memref<4x4x8x128xf32, #tpu.memory_space<hbm>>)
      } else {
      }
      %and3A_263 = arith.constant 1 : i32
      %and3A_264 = arith.andi %add3A_237, %and3A_263 : i32
      %shift_left3A_265 = arith.constant 9 : i32
      %shift_left3A_266 = arith.shli %and3A_264, %shift_left3A_265 : i32
      %parallel_loop3A_267 = arith.constant 0 : i32
      %parallel_loop3A_268 = arith.constant 512 : i32
      %parallel_loop3A_269 = arith.constant 1 : i32
      scf.for %parallel_loop3A_305 = %parallel_loop3A_267 to %parallel_loop3A_268 step %parallel_loop3A_269  : i32 {
        %parallel_loop3A_306 = arith.constant 7 : i32
        %parallel_loop3A_307 = arith.shrui %parallel_loop3A_305, %parallel_loop3A_306 : i32
        %parallel_loop3A_308 = arith.constant 127 : i32
        %parallel_loop3A_309 = arith.andi %parallel_loop3A_305, %parallel_loop3A_308 : i32
        %parallel_loop3A_310 = vector.broadcast %parallel_loop3A_307 : i32 to vector<16xi32>
        %parallel_loop3A_311 = vector.broadcast %parallel_loop3A_309 : i32 to vector<16xi32>
        %parallel_loop3A_312 = arith.addi %shift_left3A_266, %parallel_loop3A_305 : i32
        %parallel_loop3A_313 = arith.index_cast %parallel_loop3A_305 : i32 to index
        %parallel_loop3A_314 = arith.constant 0 : index
        %parallel_loop3A_315 = tpu.vector_load %arg9[%parallel_loop3A_313, %parallel_loop3A_314] {strides = array<i32>} : memref<512x32xf32, #tpu.memory_space<vmem>>, vector<16xf32>,
        %parallel_loop3A_316 = arith.index_cast %parallel_loop3A_312 : i32 to index
        %parallel_loop3A_317 = arith.constant 0 : index
        %parallel_loop3A_318 = tpu.vector_load %arg12[%parallel_loop3A_316, %parallel_loop3A_317] {strides = array<i32>} : memref<1024x32xf32, #tpu.memory_space<vmem>>, vector<16xf32>,
        %parallel_loop3A_319 = arith.addf %parallel_loop3A_315, %parallel_loop3A_318 : vector<16xf32>
        %parallel_loop3A_320 = arith.index_cast %parallel_loop3A_305 : i32 to index
        %parallel_loop3A_321 = arith.constant 16 : index
        %parallel_loop3A_322 = tpu.vector_load %arg9[%parallel_loop3A_320, %parallel_loop3A_321] {strides = array<i32>} : memref<512x32xf32, #tpu.memory_space<vmem>>, vector<16xf32>,
        %parallel_loop3A_323 = arith.index_cast %parallel_loop3A_312 : i32 to index
        %parallel_loop3A_324 = arith.constant 16 : index
        %parallel_loop3A_325 = tpu.vector_load %arg12[%parallel_loop3A_323, %parallel_loop3A_324] {strides = array<i32>} : memref<1024x32xf32, #tpu.memory_space<vmem>>, vector<16xf32>,
        %parallel_loop3A_326 = arith.addf %parallel_loop3A_322, %parallel_loop3A_325 : vector<16xf32>
        tpu.vector_store_idx %arg11[%shift_right_logical3A_4, %parallel_loop3A_310, %and3A_9, %parallel_loop3A_311], %parallel_loop3A_319 : memref<4x4x8x133xf32, #tpu.memory_space<vmem>>[vector<16xi32>, vector<16xi32>, vector<16xi32>, vector<16xi32>], vector<16xf32>,
        tpu.vector_store_idx %arg11[%add3A_7, %parallel_loop3A_310, %and3A_9, %parallel_loop3A_311], %parallel_loop3A_326 : memref<4x4x8x133xf32, #tpu.memory_space<vmem>>[vector<16xi32>, vector<16xi32>, vector<16xi32>, vector<16xi32>], vector<16xf32>,
      } {sc.loop_unroll_factor = 8 : i64, sc.parallel_access}
      %shift_right_logical3A_270 = arith.constant 1 : i32
      %shift_right_logical3A_271 = arith.shrui %add3A_237, %shift_right_logical3A_270 : i32
      %add3A_272 = arith.addi %mul3A_2, %shift_right_logical3A_271 : i32
      %shift_left3A_273 = arith.constant 2 : i32
      %shift_left3A_274 = arith.shli %and3A_264, %shift_left3A_273 : i32
      %dma_start3A_275 = arith.constant 0 : i32
      %dma_start3A_276 = arith.constant 0 : i32
      %dma_start3A_277 = arith.constant 0 : i32
      %dma_start3A_278 = arith.constant 0 : i32
      %dma_start3A_279 = tpu.memref_slice %arg11[%dma_start3A_275, %dma_start3A_276, %dma_start3A_277, %dma_start3A_278] : memref<4x4x8x133xf32, #tpu.memory_space<vmem>> -> memref<4x4x8x128xf32, #tpu.memory_space<vmem>>
      %dma_start3A_280 = arith.constant 0 : i32
      %dma_start3A_281 = arith.constant 0 : i32
      %dma_start3A_282 = arith.constant 0 : i32
      %dma_start3A_283 = arith.constant 0 : i32
      %dma_start3A_284 = tpu.memref_slice %arg5[%add3A_272, %dma_start3A_280, %dma_start3A_281, %dma_start3A_282, %dma_start3A_283] : memref<1024x4x8x8x128xf32, #tpu.memory_space<hbm>> -> memref<1x4x8x8x128xf32, #tpu.memory_space<hbm>>
      %dma_start3A_285 = tpu.memref_squeeze %dma_start3A_284 : memref<1x4x8x8x128xf32, #tpu.memory_space<hbm>> -> memref<4x8x8x128xf32, #tpu.memory_space<hbm>>
      %dma_start3A_286 = arith.constant 0 : i32
      %dma_start3A_287 = arith.constant 0 : i32
      %dma_start3A_288 = arith.constant 0 : i32
      %dma_start3A_289 = tpu.memref_slice %dma_start3A_285[%dma_start3A_286, %shift_left3A_274, %dma_start3A_287, %dma_start3A_288] : memref<4x8x8x128xf32, #tpu.memory_space<hbm>> -> memref<4x4x8x128xf32, #tpu.memory_space<hbm>>
      %dma_start3A_290 = arith.constant 0 : i32
      %dma_start3A_291 = arith.constant 0 : i32
      %dma_start3A_292 = arith.constant 0 : i32
      %dma_start3A_293 = arith.constant 0 : i32
      %dma_start3A_294 = tpu.memref_slice %arg5[%add3A_272, %dma_start3A_290, %dma_start3A_291, %dma_start3A_292, %dma_start3A_293] : memref<1024x4x8x8x128xf32, #tpu.memory_space<hbm>> -> memref<1x4x8x8x128xf32, #tpu.memory_space<hbm>>
      %dma_start3A_295 = tpu.memref_squeeze %dma_start3A_294 : memref<1x4x8x8x128xf32, #tpu.memory_space<hbm>> -> memref<4x8x8x128xf32, #tpu.memory_space<hbm>>
      %dma_start3A_296 = arith.constant 0 : i32
      %dma_start3A_297 = arith.constant 0 : i32
      %dma_start3A_298 = arith.constant 0 : i32
      %dma_start3A_299 = tpu.memref_slice %dma_start3A_295[%dma_start3A_296, %shift_left3A_274, %dma_start3A_297, %dma_start3A_298] : memref<4x8x8x128xf32, #tpu.memory_space<hbm>> -> memref<4x4x8x128xf32, #tpu.memory_space<hbm>>
      %dma_start3A_300 = arith.constant 0 : i32
      %dma_start3A_301 = arith.constant 0 : i32
      %dma_start3A_302 = arith.constant 0 : i32
      %dma_start3A_303 = arith.constant 0 : i32
      %dma_start3A_304 = tpu.memref_slice %arg11[%dma_start3A_300, %dma_start3A_301, %dma_start3A_302, %dma_start3A_303] : memref<4x4x8x133xf32, #tpu.memory_space<vmem>> -> memref<4x4x8x128xf32, #tpu.memory_space<vmem>>
      tpu.enqueue_dma source(%dma_start3A_304 : memref<4x4x8x128xf32, #tpu.memory_space<vmem>>) target(%dma_start3A_299 : memref<4x4x8x128xf32, #tpu.memory_space<hbm>>) target_semaphore(%arg16 : memref<!tpu.dma_semaphore, #tpu.memory_space<semaphore_mem>>)
    }
    %scan3A_100 = arith.constant 32 : i32
    %dma_wait3A_101 = arith.constant 0 : i32
    %dma_wait3A_102 = arith.constant 0 : i32
    %dma_wait3A_103 = arith.constant 0 : i32
    %dma_wait3A_104 = arith.constant 0 : i32
    %dma_wait3A_105 = arith.constant 0 : i32
    %dma_wait3A_106 = tpu.memref_slice %arg10[%dma_wait3A_102, %dma_wait3A_103, %dma_wait3A_104, %dma_wait3A_105] : memref<4x4x8x133xf32, #tpu.memory_space<vmem>> -> memref<4x4x8x128xf32, #tpu.memory_space<vmem>>
    %dma_wait3A_107 = arith.constant 0 : i32
    %dma_wait3A_108 = arith.constant 0 : i32
    %dma_wait3A_109 = arith.constant 0 : i32
    %dma_wait3A_110 = arith.constant 0 : i32
    %dma_wait3A_111 = tpu.memref_slice %arg5[%dma_wait3A_101, %dma_wait3A_107, %dma_wait3A_108, %dma_wait3A_109, %dma_wait3A_110] : memref<1024x4x8x8x128xf32, #tpu.memory_space<hbm>> -> memref<1x4x8x8x128xf32, #tpu.memory_space<hbm>>
    %dma_wait3A_112 = tpu.memref_squeeze %dma_wait3A_111 : memref<1x4x8x8x128xf32, #tpu.memory_space<hbm>> -> memref<4x8x8x128xf32, #tpu.memory_space<hbm>>
    %dma_wait3A_113 = arith.constant 0 : i32
    %dma_wait3A_114 = arith.constant 0 : i32
    %dma_wait3A_115 = arith.constant 0 : i32
    %dma_wait3A_116 = arith.constant 0 : i32
    %dma_wait3A_117 = tpu.memref_slice %dma_wait3A_112[%dma_wait3A_113, %dma_wait3A_114, %dma_wait3A_115, %dma_wait3A_116] : memref<4x8x8x128xf32, #tpu.memory_space<hbm>> -> memref<4x4x8x128xf32, #tpu.memory_space<hbm>>
    %dma_wait3A_118 = arith.constant 0 : i32
    %dma_wait3A_119 = arith.constant 0 : i32
    %dma_wait3A_120 = arith.constant 0 : i32
    %dma_wait3A_121 = arith.constant 0 : i32
    %dma_wait3A_122 = tpu.memref_slice %arg5[%dma_wait3A_101, %dma_wait3A_118, %dma_wait3A_119, %dma_wait3A_120, %dma_wait3A_121] : memref<1024x4x8x8x128xf32, #tpu.memory_space<hbm>> -> memref<1x4x8x8x128xf32, #tpu.memory_space<hbm>>
    %dma_wait3A_123 = tpu.memref_squeeze %dma_wait3A_122 : memref<1x4x8x8x128xf32, #tpu.memory_space<hbm>> -> memref<4x8x8x128xf32, #tpu.memory_space<hbm>>
    %dma_wait3A_124 = arith.constant 0 : i32
    %dma_wait3A_125 = arith.constant 0 : i32
    %dma_wait3A_126 = arith.constant 0 : i32
    %dma_wait3A_127 = arith.constant 0 : i32
    %dma_wait3A_128 = tpu.memref_slice %dma_wait3A_123[%dma_wait3A_124, %dma_wait3A_125, %dma_wait3A_126, %dma_wait3A_127] : memref<4x8x8x128xf32, #tpu.memory_space<hbm>> -> memref<4x4x8x128xf32, #tpu.memory_space<hbm>>
    %dma_wait3A_129 = arith.constant 0 : i32
    %dma_wait3A_130 = arith.constant 0 : i32
    %dma_wait3A_131 = arith.constant 0 : i32
    %dma_wait3A_132 = arith.constant 0 : i32
    %dma_wait3A_133 = tpu.memref_slice %arg10[%dma_wait3A_129, %dma_wait3A_130, %dma_wait3A_131, %dma_wait3A_132] : memref<4x4x8x133xf32, #tpu.memory_space<vmem>> -> memref<4x4x8x128xf32, #tpu.memory_space<vmem>>
    tpu.wait_dma2 semaphore(%arg15 : memref<!tpu.dma_semaphore, #tpu.memory_space<semaphore_mem>>) src(%dma_wait3A_133 : memref<4x4x8x128xf32, #tpu.memory_space<vmem>>) dst(%dma_wait3A_128 : memref<4x4x8x128xf32, #tpu.memory_space<hbm>>)
    %dma_wait3A_134 = arith.constant 0 : i32
    %dma_wait3A_135 = arith.constant 0 : i32
    %dma_wait3A_136 = arith.constant 0 : i32
    %dma_wait3A_137 = arith.constant 0 : i32
    %dma_wait3A_138 = arith.constant 0 : i32
    %dma_wait3A_139 = tpu.memref_slice %arg11[%dma_wait3A_135, %dma_wait3A_136, %dma_wait3A_137, %dma_wait3A_138] : memref<4x4x8x133xf32, #tpu.memory_space<vmem>> -> memref<4x4x8x128xf32, #tpu.memory_space<vmem>>
    %dma_wait3A_140 = arith.constant 0 : i32
    %dma_wait3A_141 = arith.constant 0 : i32
    %dma_wait3A_142 = arith.constant 0 : i32
    %dma_wait3A_143 = arith.constant 0 : i32
    %dma_wait3A_144 = tpu.memref_slice %arg5[%dma_wait3A_134, %dma_wait3A_140, %dma_wait3A_141, %dma_wait3A_142, %dma_wait3A_143] : memref<1024x4x8x8x128xf32, #tpu.memory_space<hbm>> -> memref<1x4x8x8x128xf32, #tpu.memory_space<hbm>>
    %dma_wait3A_145 = tpu.memref_squeeze %dma_wait3A_144 : memref<1x4x8x8x128xf32, #tpu.memory_space<hbm>> -> memref<4x8x8x128xf32, #tpu.memory_space<hbm>>
    %dma_wait3A_146 = arith.constant 0 : i32
    %dma_wait3A_147 = arith.constant 0 : i32
    %dma_wait3A_148 = arith.constant 0 : i32
    %dma_wait3A_149 = arith.constant 0 : i32
    %dma_wait3A_150 = tpu.memref_slice %dma_wait3A_145[%dma_wait3A_146, %dma_wait3A_147, %dma_wait3A_148, %dma_wait3A_149] : memref<4x8x8x128xf32, #tpu.memory_space<hbm>> -> memref<4x4x8x128xf32, #tpu.memory_space<hbm>>
    %dma_wait3A_151 = arith.constant 0 : i32
    %dma_wait3A_152 = arith.constant 0 : i32
    %dma_wait3A_153 = arith.constant 0 : i32
    %dma_wait3A_154 = arith.constant 0 : i32
    %dma_wait3A_155 = tpu.memref_slice %arg5[%dma_wait3A_134, %dma_wait3A_151, %dma_wait3A_152, %dma_wait3A_153, %dma_wait3A_154] : memref<1024x4x8x8x128xf32, #tpu.memory_space<hbm>> -> memref<1x4x8x8x128xf32, #tpu.memory_space<hbm>>
    %dma_wait3A_156 = tpu.memref_squeeze %dma_wait3A_155 : memref<1x4x8x8x128xf32, #tpu.memory_space<hbm>> -> memref<4x8x8x128xf32, #tpu.memory_space<hbm>>
    %dma_wait3A_157 = arith.constant 0 : i32
    %dma_wait3A_158 = arith.constant 0 : i32
    %dma_wait3A_159 = arith.constant 0 : i32
    %dma_wait3A_160 = arith.constant 0 : i32
    %dma_wait3A_161 = tpu.memref_slice %dma_wait3A_156[%dma_wait3A_157, %dma_wait3A_158, %dma_wait3A_159, %dma_wait3A_160] : memref<4x8x8x128xf32, #tpu.memory_space<hbm>> -> memref<4x4x8x128xf32, #tpu.memory_space<hbm>>
    %dma_wait3A_162 = arith.constant 0 : i32
    %dma_wait3A_163 = arith.constant 0 : i32
    %dma_wait3A_164 = arith.constant 0 : i32
    %dma_wait3A_165 = arith.constant 0 : i32
    %dma_wait3A_166 = tpu.memref_slice %arg11[%dma_wait3A_162, %dma_wait3A_163, %dma_wait3A_164, %dma_wait3A_165] : memref<4x4x8x133xf32, #tpu.memory_space<vmem>> -> memref<4x4x8x128xf32, #tpu.memory_space<vmem>>
    tpu.wait_dma2 semaphore(%arg16 : memref<!tpu.dma_semaphore, #tpu.memory_space<semaphore_mem>>) src(%dma_wait3A_166 : memref<4x4x8x128xf32, #tpu.memory_space<vmem>>) dst(%dma_wait3A_161 : memref<4x4x8x128xf32, #tpu.memory_space<hbm>>)
    return
  }
}

module attributes {stable_mosaic.version = 14 : i64} {
  func.func @_pos_body(%arg0: memref<1024x4xf32, #tpu.memory_space<vmem>>, %arg1: memref<4x32xf32, #tpu.memory_space<vmem>>, %arg2: memref<1x32xf32, #tpu.memory_space<vmem>>, %arg3: memref<1024x32xf32, #tpu.memory_space<vmem>>) attributes {dimension_semantics = [], scalar_prefetch = 0 : i64, scratch_operands = 0 : i64, tpu.core_type = #tpu.core_type<tc>} {
    %get3A = arith.constant 0 : index
    %get3A_0 = arith.constant 0 : index
    %get3A_1 = vector.load %arg0[%get3A, %get3A_0] : memref<1024x4xf32, #tpu.memory_space<vmem>>, vector<1024x4xf32>
    %get3A_2 = arith.constant 0 : index
    %get3A_3 = arith.constant 0 : index
    %get3A_4 = vector.load %arg1[%get3A_2, %get3A_3] : memref<4x32xf32, #tpu.memory_space<vmem>>, vector<4x32xf32>
    %dot_general3A = arith.constant dense<0.000000e+00> : vector<1024x32xf32>
    %dot_general3A_5 = tpu.matmul %get3A_1, %get3A_4, %dot_general3A {dimension_numbers = #tpu.dot_dimension_numbers<[1], [0], [0], [1], [0, 0, 1, 1], [], []>, transpose_lhs_hint = false} : vector<1024x4xf32>, vector<4x32xf32>, vector<1024x32xf32> -> vector<1024x32xf32>
    %get3A_6 = arith.constant 0 : index
    %get3A_7 = arith.constant 0 : index
    %get3A_8 = vector.load %arg2[%get3A_6, %get3A_7] : memref<1x32xf32, #tpu.memory_space<vmem>>, vector<1x32xf32>
    %add3A = vector.broadcast %get3A_8 : vector<1x32xf32> to vector<1024x32xf32>
    %add3A_9 = arith.addf %dot_general3A_5, %add3A : vector<1024x32xf32>
    %swap3A = arith.constant 0 : index
    %swap3A_10 = arith.constant 0 : index
    %swap3A_11 = vector.load %arg3[%swap3A, %swap3A_10] : memref<1024x32xf32, #tpu.memory_space<vmem>>, vector<1024x32xf32>
    tpu.vector_store %arg3[%swap3A, %swap3A_10], %add3A_9 {strides = array<i32>} : memref<1024x32xf32, #tpu.memory_space<vmem>>, vector<1024x32xf32>,
    return
  }
}

</mosaic_0001>

<sc_bundles>
// kernel: kernel.4.cloned.1.call-start
scs
__scs_entry_jumppad:
0x0: {  	(pc) =	sbr.rel $0x88, $3  }
0x1: {  	(tag) =	ssettag $0x0;
	lr =	simm.s32 $0x1  }
0x2: {  	[smem:$0x3F9C] =	sst lr;
	_ =	strace $0xD0000000  }
0x3: {  	_ = 	snop  }
0x4: {  	_ = 	snop  }
0x5: {  	_ = 	snop  }
0x6: {  	_ = 	snop  }
0x7: {  	_ = 	snop  }
__scs_overlays_trampoline_lowered:
0x8: {  	[smem:$0x3FAB] =	sst s0  }
0x9: {  	[smem:$0x3FAC] =	sst s1  }
0xa: {  	[smem:$0x3FAD] =	sst s2  }
0xb: {  	[smem:$0x3FAE] =	sst s3  }
0xc: {  	[smem:$0x3FAF] =	sst s4  }
0xd: {  	[smem:$0x3FB0] =	sst s5  }
0xe: {  	[smem:$0x3FB1] =	sst s6  }
0xf: {  	[smem:$0x3FB2] =	sst s7  }
0x10: {  	[smem:$0x3FB3] =	sst s8  }
0x11: {  	[smem:$0x3FB4] =	sst s9;
	s0 =	simm.s32 @!p0 $0x0  }
0x12: {  	s1 =	sld [smem:$0x3F9A];
	s0 =	simm.s32 @p0 $0x1  }
0x13: {  	[smem:$0x3FB5] =	sst s0;
	s0 =	simm.s32 @!p1 $0x0  }
0x14: {  	s2 =	sld [smem:$0x3F99];
	s0 =	simm.s32 @p1 $0x1  }
0x15: {  	[smem:$0x3FB6] =	sst s0;
	s0 =	simm.s32 @!p2 $0x0  }
0x16: {  	s3 =	sld [smem:$0x3FDB];
	s0 =	simm.s32 @p2 $0x1  }
0x17: {  	s4 =	simm.s32 $0x1BF5;
	[smem:$0x3FB8] =	sst s0  }
0x18: {  	s0 =	sld [smem:$0x3F9B];
	_ =	swait.ge [sflag:s4], $0x0  }
0x19: {  	s7 =	sld [smem:$0x3F9C]  }
0x1a: {  	s8 =	sadd.s32 $0xFFFFE003, lr  }
0x1b: {  	s9 =	sadd.s32 $0xFFFFFEF7, lr;
	s5 =	simm.s32 $0xFFFFFFFF;
	p2 =	slt.u32 s8, $0xFFFFF086  }
0x1c: {  	p1 =	slt.u32 s9, $0xF7A;
	s5 =	simm.s32 @!p2 $0x0  }
0x1d: {  	s5 =	simm.s32 @p1 $0x1;
	p0 =	seq.s32 s7, s2  }
0x1e: {  	s7 =	smul.u32 @!p0 $0xF7A, s2;
	p2 =	seq.s32 @!p0 s5, $0x0  }
0x1f: {  	s9 =	smul.u32 $0xF7A, s1;
	s8 =	simm.s32 @!p0 $0x1BF5;
	p2 =	por !p2, p0  }
0x20: {  	[sflag:s8] =	ssyncset.s32 @!p0 $0xFFFFF086;
	s6 =	sadd.s32 @!p0 s3, s7;
	s7 =	simm.s32 @!p0 $0x108  }
0x21: {  	s3 =	sadd.s32 s3, s9;
	s6 =	sadd.s32 @!p0 $0x88, s6;
	s7 =	simm.s32 @p2 $0x1082  }
0x22: {  	[simem:s7], [sflag:s8] =	dma.local @!p0 [hbm:s6], $0xF7A  }
0x23: {  	s9 =	sor.u32 $0xD0000000, s2;
	s6 =	simm.s32 $0x108;
	_ =	swait.ge @!p0 [sflag:s8], $0x0  }
0x24: {  	s3 =	sadd.s32 $0x88, s3;
	s6 =	simm.s32 @!p1 $0x1082;
	[sflag:s4] =	ssyncset.s32 $0xFFFFF086  }
0x25: {  	[simem:s6], [sflag:s4] =	dma.local [hbm:s3], $0xF7A  }
0x26: {  	[smem:$0x3F9C] =	sst s1;
	(tag) =	ssettag s2;
	_ =	strace s9  }
0x27: {  	s1 =	sld [smem:$0x3FAC]  }
0x28: {  	s2 =	sld [smem:$0x3FAD]  }
0x29: {  	s4 =	sld [smem:$0x3FAF]  }
0x2a: {  	p0 =	seq.s32 s5, $0x0;
	s5 =	sld [smem:$0x3FB0]  }
0x2b: {  	s6 =	sld [smem:$0x3FB1]  }
0x2c: {  	s7 =	sld [smem:$0x3FB2]  }
0x2d: {  	s3 =	simm.s32 $0x108;
	s8 =	sld [smem:$0x3FB3]  }
0x2e: {  	s3 =	simm.s32 @!p0 $0x1082;
	s9 =	sld [smem:$0x3FB4]  }
0x2f: {  	lr =	sadd.s32 s0, s3;
	s0 =	sld [smem:$0x3FAB]  }
0x30: {  	s3 =	sld [smem:$0x3FAE]  }
0x31: {  	[smem:$0x3FB7] =	sst s10  }
0x32: {  	s10 =	sld [smem:$0x3FB5];
	_ =	sdelay $0x3  }
0x33: {  	p0 =	seq.s32 s10, $0x1;
	s10 =	sld [smem:$0x3FB7];
	_ =	sdelay $0x3  }
0x34: {  	[smem:$0x3FB7] =	sst s10  }
0x35: {  	s10 =	sld [smem:$0x3FB6];
	_ =	sdelay $0x3  }
0x36: {  	p1 =	seq.s32 s10, $0x1;
	s10 =	sld [smem:$0x3FB7];
	_ =	sdelay $0x3  }
0x37: {  	[smem:$0x3FB7] =	sst s10  }
0x38: {  	s10 =	sld [smem:$0x3FB8]  }
0x39: {  	_ = 	snop;
	(pc) =	sbr.ind lr, $3  }
0x3a: {  	_ = 	snop  }
0x3b: {  	_ = 	snop  }
0x3c: {  	p2 =	seq.s32 s10, $0x1;
	s10 =	sld [smem:$0x3FB7]  }
0x3d: {  	_ =	shalt  }
0x3e: {  	_ =	shalt  }
0x3f: {  	_ =	shalt  }
0x40: {  	_ =	shalt  }
0x41: {  	_ =	shalt  }
0x42: {  	_ =	shalt  }
0x43: {  	_ =	shalt  }
0x44: {  	_ =	shalt  }
0x45: {  	_ =	shalt  }
0x46: {  	_ =	shalt  }
0x47: {  	_ =	shalt  }
0x48: {  	_ =	shalt  }
0x49: {  	_ =	shalt  }
0x4a: {  	_ =	shalt  }
0x4b: {  	_ =	shalt  }
0x4c: {  	_ =	shalt  }
0x4d: {  	_ =	shalt  }
0x4e: {  	_ =	shalt  }
0x4f: {  	_ =	shalt  }
0x50: {  	_ =	shalt  }
0x51: {  	_ =	shalt  }
0x52: {  	_ =	shalt  }
0x53: {  	_ =	shalt  }
0x54: {  	_ =	shalt  }
0x55: {  	_ =	shalt  }
0x56: {  	_ =	shalt  }
0x57: {  	_ =	shalt  }
0x58: {  	_ =	shalt  }
0x59: {  	_ =	shalt  }
0x5a: {  	_ =	shalt  }
0x5b: {  	_ =	shalt  }
0x5c: {  	_ =	shalt  }
0x5d: {  	_ =	shalt  }
0x5e: {  	_ =	shalt  }
0x5f: {  	_ =	shalt  }
0x60: {  	_ =	shalt  }
0x61: {  	_ =	shalt  }
0x62: {  	_ =	shalt  }
0x63: {  	_ =	shalt  }
0x64: {  	_ =	shalt  }
0x65: {  	_ =	shalt  }
0x66: {  	_ =	shalt  }
0x67: {  	_ =	shalt  }
0x68: {  	_ =	shalt  }
0x69: {  	_ =	shalt  }
0x6a: {  	_ =	shalt  }
0x6b: {  	_ =	shalt  }
0x6c: {  	_ =	shalt  }
0x6d: {  	_ =	shalt  }
0x6e: {  	_ =	shalt  }
0x6f: {  	_ =	shalt  }
0x70: {  	_ =	shalt  }
0x71: {  	_ =	shalt  }
0x72: {  	_ =	shalt  }
0x73: {  	_ =	shalt  }
0x74: {  	_ =	shalt  }
0x75: {  	_ =	shalt  }
0x76: {  	_ =	shalt  }
0x77: {  	_ =	shalt  }
0x78: {  	_ =	shalt  }
0x79: {  	_ =	shalt  }
0x7a: {  	_ =	shalt  }
0x7b: {  	_ =	shalt  }
0x7c: {  	_ =	shalt  }
0x7d: {  	_ =	shalt  }
0x7e: {  	_ =	shalt  }
0x7f: {  	_ =	shalt  }
0x80: {  	_ =	shalt  }
0x81: {  	_ =	shalt  }
0x82: {  	_ =	shalt  }
0x83: {  	_ =	shalt  }
0x84: {  	_ =	shalt  }
0x85: {  	_ =	shalt  }
0x86: {  	_ =	shalt  }
0x87: {  	_ =	shalt  }
.Lfunc_end0:
.L_simem_size_0:
called_computation_lowered:
.L_overlay_start_0:
0x88: {  	s2 =	sld [smem:$0x3FD9]  }
0x89: {  	s3 =	sld [smem:$0x3FFE];
	_ =	sdelay $0x1  }
0x8a: {  	s1 =	srdreg.scid  }
0x8b: {  	s0 =	sand.u32 $0x1, s1  }
0x8c: {  	s17 =	sshll.u32 s0, $0xA;
	s2 =	sadd.s32 s3, s2  }
0x8d: {  	s2 =	sadd.s32 s2, s17  }
0x8e: {  	[smem:$0x3FC3] =	sst s2  }
0x8f: {  	_ = 	snop  }
0x90: {  	s2 =	sld [smem:$0x3FC9]  }
0x91: {  	s18 =	sld [smem:$0x3FD0];
	(tm) =	ssettm $0x1  }
0x92: {  	s4 =	sld [smem:$0x3FFB];
	_ =	sdelay $0x3  }
0x93: {  	_ =	strace s4  }
0x94: {  	s4 =	sld [smem:$0x3FFC];
	_ =	sdelay $0x3  }
0x95: {  	_ =	strace s4  }
0x96: {  	s4 =	sld [smem:$0x3FFD];
	_ =	sdelay $0x3  }
0x97: {  	_ =	strace s4  }
0x98: {  	_ =	strace $0x8FFFFFFF  }
0x99: {  	s19 =	sld [smem:$0x3FDB];
	_ =	sdelay $0x1  }
0x9a: {  	s5 =	simm.s32 $_scs_section_size  }
0x9b: {  	s6 =	simm.s32 $_size__tile_overlayer_lowered;
	s7 =	simm.s32 $_tile_overlayer_lowered  }
0x9c: {  	s22 =	simm.s32 $0x1BFF;
	s21 =	sshll.u32 s7, $0x1;
	s4 =	sadd.s32 s5, s19  }
0x9d: {  	s8 =	simm.s32 $0x0;
	s20 =	sshll.u32 s6, $0x1;
	s6 =	sadd.s32 s21, s4  }
0x9e: {  	[timem:s8], [sflag:s22] =	dma.local [hbm:s6], s20  }
0x9f: {  	_ =	swait.ge [sflag:s22], s20  }
0xa0: {  	s5 =	ssub.s32 $0x0, s20;
	[sflag:s22] =	ssyncset.done $0x0  }
0xa1: {  	[sflag:s22] =	ssyncadd.s32 s5;
	_ =	sdelay $0x1  }
0xa2: {  	s23 =	simm.s32 $0x1B8B  }
0xa3: {  	_ =	swait.ge [sflag:s23], $0x1  }
0xa4: {  	[sflag:s23] =	ssyncset.done $0x0  }
0xa5: {  	s25 =	simm.s32 $0x1B8E;
	s24 =	sld [smem:$0x3FFE];
	[sflag:s23] =	ssyncadd.s32 $0xFFFFFFFF  }
0xa6: {  	s26 =	simm.s32 $execute0_lowered;
	[smem:$0x3FD2] =	sst s25  }
0xa7: {  	s6 =	sshll.u32 s26, $0x1;
	_ =	strace $0x80000046;
	[dreg:$0x1] =	wrdreg $0xFFFFFFFF  }
0xa8: {  	s28 =	simm.s32 $_size_execute0_lowered;
	s4 =	sadd.s32 s4, s6;
	[dreg:$0x0] =	wrdreg $0x0  }
0xa9: {  	s6 =	sshll.u32 s28, $0x1;
	[dreg:$0x2] =	wrdreg s4  }
0xaa: {  	[dreg:$0x3] =	wrdreg s6  }
0xab: {  	[dreg:$0x4] =	wrdreg $0xC0  }
0xac: {  	_ =	task [dreg:s8], $0x5FFFF  }
0xad: {  	[dreg:$0x1] =	wrdreg $0xFFFFFFFF  }
0xae: {  	[dreg:$0x0] =	wrdreg $0x60  }
0xaf: {  	[dreg:$0x2] =	wrdreg s2  }
0xb0: {  	[dreg:$0x3] =	wrdreg s24  }
0xb1: {  	[dreg:$0x4] =	wrdreg s18  }
0xb2: {  	[dreg:$0x5] =	wrdreg $0x9  }
0xb3: {  	_ =	task.clear_ibuf [dreg:s8], $0x6FFFF;
	_ =	strace $0x90000046  }
0xb4: {  	s29 =	simm.s32 $0x9;
	_ =	strace $0x80000048  }
0xb5: {  	_ =	swait.ge [sflag:s29], $0x1  }
0xb6: {  	[sflag:s29] =	ssyncadd.s32 $0xFFFFFFFF  }
0xb7: {  	_ =	strace $0x90000048  }
0xb8: {  	_ =	sfence  }
0xb9: {  	s30 =	sld [smem:$0x0];
	_ =	sdelay $0x2  }
0xba: {  	s31 =	sshll.u32 s1, $0xD;
	s1 =	sshrl.u32 s1, $0x2  }
0xbb: {  	s3 =	sand.u32 $0x4000, s31;
	s1 =	sadd.s32 s1, s30  }
0xbc: {  	s0 =	sor.u32 s3, s0;
	s1 =	sshll.u32 s1, $0x11  }
0xbd: {  	s0 =	sor.u32 s1, s0  }
0xbe: {  	s0 =	sadd.s32 $0x8F2B, s0  }
0xbf: {  	[sflag:s0] =	ssyncadd.remote.s32 $0x1  }
0xc0: {  	_ =	sfence.sel $0xFFFF  }
0xc1: {  	[dreg:$0x0] =	wrdreg $0xFFFFFFFF;
	(pc) =	sbr.abs _section_cstart, $3  }
0xc2: {  	[dreg:$0x1] =	wrdreg $0xFFFFFFFF  }
0xc3: {  	_ =	task.clear_ibuf [dreg:s8], $0x2FFFF;
	_ =	strace $0x9FFFFFFF  }
0xc4: {  	(tm) =	ssettm $0x7FFFFFFF  }
0xc5: {  	_ =	shalt  }
tec
execute0_lowered:
.L_overlay_start_1:
0x0: {  	(tag) =	ssettag $0x1  }
0x1: {  	v0 =	vimm.s32 $0x14B8  }
0x2: {  	s1 =	rddreg [dreg:$0x0];
	vm0 =	vcmask $0x300;
	vm1 =	vcmask $0x704;
	v1 =	vimm.s32 $0x36B8  }
0x3: {  	s0 =	rddreg [dreg:$0x1];
	vm2 =	vcmask $0xB08;
	v0 =	vsel vm0, $0x0, v0;
	v1 =	vsel vm0, $0x2200, v1  }
0x4: {  	s3 =	simm.s32 $0x0;
	s4 =	srdreg.scid;
	s2 =	stileid.u32;
	vm3 =	vcmask $0xF0C;
	v0 =	vsel vm1, $0x88, v0;
	v1 =	vsel vm1, $0x2288, v1  }
0x5: {  	vm15 =	vcmask $0x1310;
	s14 =	simm.s32 $0x80;
	s15 =	simm.s32 $0x400;
	s16 =	simm.s32 $0x5;
	v0 =	vsel vm2, $0x110, v0;
	v1 =	vsel vm2, $0x2310, v1  }
0x6: {  	vm6 =	vcmask $0x1714;
	s22 =	simm.s32 $0x200;
	s23 =	simm.s32 $0x6;
	s28 =	simm.s32 $0x300;
	v0 =	vsel vm3, $0x198, v0;
	v1 =	vsel vm3, $0x2398, v1  }
0x7: {  	vm7 =	vcmask $0x1B18;
	s29 =	simm.s32 $0x6400;
	s30 =	simm.s32 $0x380;
	s31 =	simm.s32 $0x7400;
	v0 =	vsel vm15, $0x220, v0;
	v1 =	vsel vm15, $0x2420, v1  }
0x8: {  	vm8 =	vcmask $0x1F1C;
	s12 =	simm.s32 $0x2;
	s9 =	simm.s32 $0xC800;
	s10 =	simm.s32 $0x3;
	v0 =	vsel vm6, $0x2A8, v0;
	v1 =	vsel vm6, $0x24A8, v1  }
0x9: {  	vm9 =	vcmask $0x2320;
	[smem:$0x7FF] =	sst s3;
	s4 =	sand.u32 $0x1, s4;
	s5 =	sadd.s32 $0x1800, s0;
	v0 =	vsel vm7, $0x330, v0;
	v1 =	vsel vm7, $0x2530, v1  }
0xa: {  	vm10 =	vcmask $0x2724;
	s6 =	sshll.u32 s2, $0x6;
	s0 =	sadd.s32 $0x800, s0;
	s25 =	sadd.s32 $0x200, s1;
	v0 =	vsel vm8, $0x3B8, v0;
	v1 =	vsel vm8, $0x25B8, v1  }
0xb: {  	vm11 =	vcmask $0x2B28;
	s2 =	simm.s32 $0x0;
	_ =	strace $0x80000047;
	s7 =	sshll.u32 s4, $0x5;
	v0 =	vsel vm9, $0x1100, v0;
	v1 =	vsel vm9, $0x3300, v1  }
0xc: {  	vm12 =	vcmask $0x2F2C;
	[dreg:$0x4] =	wrdreg s0;
	s24 =	ssub.s32 $0x2, s4;
	s7 =	sor.u32 s7, s6;
	v0 =	vsel vm10, $0x1188, v0;
	v1 =	vsel vm10, $0x3388, v1  }
0xd: {  	vm13 =	vcmask $0x3330;
	[dreg:$0x5] =	wrdreg s25;
	s4 =	sshrl.u32 s24, $0x1;
	s6 =	sshll.u32 s7, $0x7;
	v0 =	vsel vm11, $0x1210, v0;
	v1 =	vsel vm11, $0x3410, v1  }
0xe: {  	vm14 =	vcmask $0x3734;
	s0 =	ssub.s32 s24, s4;
	s4 =	simm.s32 $0x8400;
	s1 =	sadd.s32 s1, s6;
	v0 =	vsel vm12, $0x1298, v0;
	v1 =	vsel vm12, $0x3498, v1  }
0xf: {  	v2 =	vimm.s32 $0x0;
	s26 =	sadd.s32 s6, s25;
	s0 =	smax.u32 s0, $0x1;
	[dreg:$0x6] =	wrdreg s1;
	v0 =	vsel vm13, $0x1320, v0;
	v1 =	vsel vm13, $0x3520, v1  }
0x10: {  	s25 =	simm.s32 $0x280;
	vm15 =	vcmask $0x3B38;
	s6 =	simm.s32 $0x4;
	[dreg:$0x7] =	wrdreg s26;
	v0 =	vsel vm14, $0x13A8, v0;
	v3 =	vsel vm14, $0x35A8, v1  }
0x11: {  	[dreg:$0x8] =	wrdreg s0;
	s26 =	simm.s32 $0x5400;
	s0 =	simm.s32 $0x1;
	v1 =	vsel vm0, $0x3, v2;
	v0 =	vsel vm15, $0x1430, v0;
	v2 =	vsel vm15, $0x3630, v3  }
.LBB2_1:
0x12: {  	[dreg:$0x9] =	wrdreg s2  }
0x13: {  	s1 =	rddreg [dreg:$0x4];
	s8 =	simm.s32 $0x10C00;
	s11 =	simm.s32 $0x7  }
0x14: {  	[tilespmem:s8], [sflag:$0x7] =	stream.linear.gather [hbm4b:s1+s3], $0x8000, $0x38;
	[tilespmem:$0x18C00] =	vst v63  }
0x15: {  	_ =	swait.ge [sflag:s11], $0x8000  }
0x16: {  	[sflag:s11] =	ssyncset.done $0x0  }
0x17: {  	s13 =	rddreg [dreg:$0x6];
	[sflag:s11] =	ssyncadd.s32 $0xFFFF8000  }
0x18: {  	[tilespmem:s3], [sflag:$0x5] =	stream.strided.gather [hbm4b:s13+s14], $0x200, s15, s14, $0x38;
	[tilespmem:$0x18C00] =	vst v63  }
0x19: {  	_ =	swait.ge [sflag:s16], $0x200  }
0x1a: {  	[sflag:s16] =	ssyncset.done $0x0  }
0x1b: {  	[sflag:s16] =	ssyncadd.s32 $0xFFFFFE00  }
0x1c: {  	[tilespmem:s15], [sflag:$0x1] =	stream.indirect.gather [hbm4b:s5+s14], $0x20, s3, s14, $0xb8;
	[tilespmem:$0x18C00] =	vst v63  }
0x1d: {  	s17 =	simm.s32 $0x1400  }
0x1e: {  	[tilespmem:s17], [sflag:$0x1] =	stream.indirect.gather [hbm4b:s5+s14], $0x20, s14, s14, $0xb8;
	[tilespmem:$0x18C00] =	vst v63  }
0x1f: {  	s18 =	simm.s32 $0x100;
	s19 =	simm.s32 $0x2400  }
0x20: {  	[tilespmem:s19], [sflag:$0x1] =	stream.indirect.gather [hbm4b:s5+s14], $0x20, s18, s14, $0xb8;
	[tilespmem:$0x18C00] =	vst v63  }
0x21: {  	s20 =	simm.s32 $0x180;
	s21 =	simm.s32 $0x3400  }
0x22: {  	[tilespmem:s21], [sflag:$0x1] =	stream.indirect.gather [hbm4b:s5+s14], $0x20, s20, s14, $0xb8;
	[tilespmem:$0x18C00] =	vst v63  }
0x23: {  	s13 =	simm.s32 $0x0;
	s24 =	rddreg [dreg:$0x7]  }
0x24: {  	[tilespmem:s22], [sflag:$0x6] =	stream.strided.gather [hbm4b:s24+s14], $0x200, s15, s14, $0x38;
	[tilespmem:$0x18C00] =	vst v63  }
.LBB2_2:
0x25: {  	_ =	swait.ge [sflag:s23], $0x200  }
0x26: {  	[sflag:s23] =	ssyncset.done $0x0  }
0x27: {  	s1 =	simm.s32 $0x4400;
	[sflag:s23] =	ssyncadd.s32 $0xFFFFFE00  }
0x28: {  	[tilespmem:s1], [sflag:$0x2] =	stream.indirect.gather [hbm4b:s5+s14], $0x20, s22, s14, $0xb8;
	[tilespmem:$0x18C00] =	vst v63  }
0x29: {  	p0 =	seq.s32 s13, $0x1F  }
0x2a: {  	[tilespmem:s26], [sflag:$0x2] =	stream.indirect.gather [hbm4b:s5+s14], $0x20, s25, s14, $0xb8;
	[tilespmem:$0x18C00] =	vst v63  }
0x2b: {  	s11 =	sshll.u32 @!p0 s13, $0x1;
	p1 =	seq.s32 @!p0 s13, $0x0  }
0x2c: {  	[tilespmem:s29], [sflag:$0x2] =	stream.indirect.gather [hbm4b:s5+s14], $0x20, s28, s14, $0xb8;
	[tilespmem:$0x18C00] =	vst v63  }
0x2d: {  	s18 =	simm.s32 @!p0 $0x400;
	s11 =	sadd.s32 @!p0 $0x2, s11;
	p1 =	por p0, !p1  }
0x2e: {  	[tilespmem:s31], [sflag:$0x2] =	stream.indirect.gather [hbm4b:s5+s14], $0x20, s30, s14, $0xb8;
	[tilespmem:$0x18C00] =	vst v63  }
0x2f: {  	s17 =	sshrl.u32 @!p0 s11, $0x1;
	s11 =	sshll.u32 @!p0 s11, $0x3;
	_ =	swait.ge [sflag:s0], $0x4000  }
.Ltmp0:
0x30: {  	s17 =	sadd.s32 @!p0 s7, s17;
	[sflag:s0] =	ssyncset.done $0x0;
	(pc) =	sbr.rel @!p1 .LBB2_3-.Ltmp0, $4  }
0x31: {  	s11 =	sand.u32 @!p0 $0x70, s11;
	s17 =	sshll.u32 @!p0 s17, $0x7;
	s1 =	rddreg [dreg:$0x0]  }
0x32: {  	s19 =	simm.s32 @!p0 $0x0;
	s17 =	sand.u32 @!p0 $0xFFFFC00, s17;
	s11 =	sadd.s32 @!p0 s1, s11  }
0x33: {  	[sflag:s0] =	ssyncadd.s32 $0xFFFFC000;
	s11 =	sadd.s32 @!p0 s17, s11;
	s17 =	simm.s32 @!p0 $0x80  }
0x34: {  	[tilespmem:s19], [sflag:$0x5] =	stream.strided.gather @!p0 [hbm4b:s11+s17], $0x200, s18, s17, $0x38;
	[tilespmem:$0x18C00] =	vst v63  }
.Ltmp1:
0x35: {  	(pc) =	sbr.rel .LBB2_5-.Ltmp1, $4  }
0x36: {  	_ = 	snop  }
0x37: {  	_ =	swait.ge [sflag:s10], $0x4000  }
0x38: {  	[sflag:s10] =	ssyncset.done $0x0  }
0x39: {  	p0 =	por $0x0, $0x0;
	[sflag:s10] =	ssyncadd.s32 $0xFFFFC000  }
.LBB2_3:
0x3a: {  	p0 =	por @!p0 $0x1, $0x1  }
.LBB2_5:
0x3b: {  	s18 =	simm.s32 $0x10C80  }
0x3c: {  	s11 =	simm.s32 $0x480;
	v3 =	vld [tilespmem:s18+$0xFFFFFFD0]  }
0x3d: {  	v10 =	vld [tilespmem:s11+$0x20]  }
0x3e: {  	v11 =	vld [tilespmem:s18+$0x20]  }
0x3f: {  	v4 =	vld [tilespmem:s18+$0x50]  }
0x40: {  	v8 =	vld [tilespmem:s11+$0x40]  }
0x41: {  	s17 =	simm.s32 $0x0;
	s19 =	simm.s32 $0x0;
	s2 =	simm.s32 $0x4;
	v12 =	vld [tilespmem:s18+$0x40]  }
0x42: {  	s8 =	simm.s32 $0x5;
	s21 =	simm.s32 $0x6;
	s20 =	sand.u32 $0x78, s17;
	v5 =	vld [tilespmem:s18+$0x60]  }
0x43: {  	v6 =	vmov s19;
	v13 =	vld [tilespmem:s18+$0x30];
	s19 =	sand.u32 $0x78, s2;
	s2 =	simm.s32 $0x3;
	s21 =	sand.u32 $0x78, s21  }
0x44: {  	v14 =	vld [tilespmem:s18+$0x70];
	v7 =	vmov s20;
	v9 =	vmul.u32 $0x440, v6;
	s20 =	sand.u32 $0x78, s8;
	s2 =	sand.u32 $0x78, s2;
	v18 =	vmov s21  }
0x45: {  	v21 =	vld [tilespmem:s18+$0x10];
	v7 =	vshrl.u32 v7, $0x3;
	v16 =	vmov s20;
	v20 =	vmov s2  }
0x46: {  	v24 =	vld [tilespmem:s11+$0x10];
	v18 =	vshrl.u32 v18, $0x3;
	v7 =	vshll.u32 v7, v1;
	v9 =	vbroadcast v9, $0x0  }
0x47: {  	v17 =	vld [tilespmem:s11+$0x30];
	s20 =	simm.s32 $0x1;
	v16 =	vshrl.u32 v16, $0x3;
	v20 =	vshrl.u32 v20, $0x3;
	v27 =	vshll.u32 v18, v1  }
0x48: {  	v19 =	vld [tilespmem:s11+$0x70];
	s2 =	sand.u32 $0x78, s20;
	v15 =	vbroadcast v7, $0x0;
	v7 =	vmov s19;
	v16 =	vshll.u32 v16, v1  }
0x49: {  	v23 =	vld [tilespmem:s18+$0xFFFFFF90];
	v29 =	vmov s2;
	v61 =	vbroadcast v27, $0x0;
	v7 =	vshrl.u32 v7, $0x3  }
0x4a: {  	s24 =	simm.s32 $0x7;
	v25 =	vld [tilespmem:s18+$0x0];
	v16 =	vbroadcast v16, $0x0;
	v30 =	vadd.s32 v0, v9;
	v8 =	vadd.f32 v12, v8  }
0x4b: {  	v18 =	vld [tilespmem:s11+$0x0];
	s2 =	sand.u32 $0x78, s24;
	v29 =	vshrl.u32 v29, $0x3;
	v34 =	vadd.f32 v11, v10;
	v36 =	vadd.f32 v21, v24  }
0x4c: {  	v31 =	vld [tilespmem:s18+$0xFFFFFFE0];
	v11 =	vmov s2;
	v17 =	vadd.f32 v13, v17;
	v7 =	vshll.u32 v7, v1  }
0x4d: {  	v33 =	vld [tilespmem:s18+$0xFFFFFFC0];
	v12 =	vadd.s32 v15, v30;
	v22 =	vbroadcast v7, $0x0;
	v7 =	vadd.s32 v2, v9  }
0x4e: {  	v35 =	vld [tilespmem:s11+$0xFFFFFFC0];
	s21 =	simm.s32 $0x2;
	v21 =	vshll.u32 v29, v1;
	v26 =	vadd.s32 v30, v16;
	v16 =	vadd.s32 v7, v16  }
0x4f: {  	s19 =	sand.u32 $0x78, s21;
	v13 =	vbroadcast v21, $0x0;
	v9 =	vadd.s32 v15, v7;
	v32 =	vor.u32 $0x5, v16;
	v16 =	vld [tilespmem:s11+$0xFFFFFFE0]  }
0x50: {  	v37 =	vld [tilespmem:s18+$0xFFFFFF80];
	v26 =	vor.u32 $0x5, v26;
	v15 =	vmov s19;
	v29 =	vadd.f32 v25, v18  }
0x51: {  	v24 =	vld [tilespmem:s11+$0xFFFFFFA0];
	v18 =	vshll.u32 v20, v1;
	v28 =	vadd.s32 v7, v22;
	v22 =	vadd.s32 v30, v22  }
0x52: {  	v10 =	vshrl.u32 v15, $0x3;
	v15 =	vld [tilespmem:s18+$0xFFFFFFA0];
	v20 =	vor.u32 $0x4, v22;
	v22 =	vshrl.u32 v11, $0x3  }
0x53: {  	v6 =	vld [tilespmem:s11+$0xFFFFFFF0];
	v63 =	vadd.s32 v7, v61;
	v28 =	vor.u32 $0x4, v28;
	v21 =	vshll.u32 v22, v1  }
0x54: {  	v22 =	vbroadcast v18, $0x0;
	v11 =	vadd.f32 v31, v16;
	v31 =	vld [tilespmem:s11+$0xFFFFFF80];
	v16 =	vshll.u32 v10, v1  }
0x55: {  	v18 =	vadd.f32 v33, v35;
	v62 =	vbroadcast v21, $0x0;
	v21 =	vld [tilespmem:s18+$0xFFFFFFB0];
	[tilespmem:v26+s4+$0x0] =	vst.idx.msk $0xffff, v34;
	v60 =	vbroadcast v16, $0x0  }
0x56: {  	v26 =	vadd.s32 v7, v22;
	v10 =	vadd.f32 v14, v19;
	v14 =	vld [tilespmem:s11+$0xFFFFFF90];
	v19 =	vadd.s32 v30, v13  }
0x57: {  	[tilespmem:v32+s4+$0x0] =	vst.idx.msk $0xffff, v17;
	v17 =	vadd.f32 v15, v24;
	v24 =	vld [tilespmem:s18+$0xFFFFFFF0];
	v15 =	vadd.s32 v30, v60  }
0x58: {  	v22 =	vadd.s32 v30, v22;
	v16 =	vld [tilespmem:s11+$0xFFFFFFB0];
	v19 =	vor.u32 $0x1, v19;
	[tilespmem:v20+s4+$0x0] =	vst.idx.msk $0xffff, v29;
	v25 =	vor.u32 $0x2, v15  }
0x59: {  	v29 =	vadd.s32 v30, v62;
	v20 =	vor.u32 $0x3, v26;
	v26 =	vld [tilespmem:s11+$0x60];
	[tilespmem:v28+s4+$0x0] =	vst.idx.msk $0xffff, v36;
	v31 =	vadd.f32 v37, v31  }
0x5a: {  	v28 =	vadd.s32 v7, v62;
	v33 =	vadd.s32 v7, v60;
	v30 =	vadd.s32 v30, v61;
	v15 =	vld [tilespmem:s11+$0x50]  }
0x5b: {  	s18 =	simm.s32 $0x10D80;
	v27 =	vadd.f32 v23, v14;
	v23 =	vld [tilespmem:s11+$0xFFFFFFD0];
	v14 =	vor.u32 $0x6, v63;
	[tilespmem:v12+s4+$0x0] =	vst.idx.msk $0xffff, v31;
	v12 =	vor.u32 $0x2, v33  }
.LBB2_6:
0x5c: {  	v31 =	vld [tilespmem:s18+$0xFFFFFFD0];
	v24 =	vadd.f32 v24, v6;
	v6 =	vor.u32 $0x6, v30;
	v29 =	vor.u32 $0x7, v29;
	s11 =	sadd.s32 $0x100, s11;
	s19 =	smov.u32 s17;
	s17 =	sadd.s32 $0x8, s17  }
0x5d: {  	s2 =	sshrl.u32 s17, $0x7;
	s20 =	sand.u32 $0x78, s17;
	v30 =	vld [tilespmem:s11+$0x20];
	p1 =	slt.u32 s17, $0x1F8;
	v16 =	vadd.f32 v21, v16;
	[tilespmem:v25+s4+$0x0] =	vst.idx.msk $0xffff, v18;
	v18 =	vor.u32 $0x3, v22;
	v21 =	vor.u32 $0x7, v28  }
0x5e: {  	v7 =	vadd.s32 v7, v13;
	v22 =	vmov s2;
	v25 =	vmov s20;
	v28 =	vld [tilespmem:s18+$0x20];
	[tilespmem:v9+s4+$0x0] =	vst.idx.msk $0xffff, v27  }
0x5f: {  	v9 =	vshrl.u32 v25, $0x3;
	v13 =	vmul.u32 $0x440, v22;
	v22 =	vld [tilespmem:s18+$0x50];
	v25 =	vadd.f32 v5, v26  }
0x60: {  	v7 =	vor.u32 $0x1, v7;
	v9 =	vshll.u32 v9, v1;
	v26 =	vld [tilespmem:s11+$0x40];
	[tilespmem:v19+s4+$0x0] =	vst.idx.msk $0xffff, v17;
	v17 =	vadd.f32 v3, v23  }
0x61: {  	v13 =	vbroadcast v13, $0x0;
	v19 =	vld [tilespmem:s18+$0x40];
	[tilespmem:v6+s4+$0x0] =	vst.idx.msk $0xffff, v8;
	v3 =	vmov v31  }
0x62: {  	v5 =	vld [tilespmem:s18+$0x60];
	[tilespmem:v18+s4+$0x0] =	vst.idx.msk $0xffff, v11  }
0x63: {  	s2 =	sadd.s32 $0xB, s19;
	v8 =	vadd.f32 v4, v15;
	v6 =	vld [tilespmem:s11+$0xFFFFFFF0];
	[tilespmem:v20+s4+$0x0] =	vst.idx.msk $0xffff, v24  }
0x64: {  	s21 =	sadd.s32 $0xD, s19;
	s1 =	sadd.s32 $0xE, s19;
	s20 =	sadd.s32 $0xC, s19;
	v11 =	vld [tilespmem:s18+$0x30];
	[tilespmem:v29+s4+$0x0] =	vst.idx.msk $0xffff, v25;
	v4 =	vmov v22  }
0x65: {  	s21 =	sand.u32 $0x78, s21;
	s1 =	sand.u32 $0x78, s1;
	s20 =	sand.u32 $0x78, s20;
	v15 =	vbroadcast v9, $0x0;
	v18 =	vld [tilespmem:s18+$0x70];
	[tilespmem:v21+s4+$0x0] =	vst.idx.msk $0xffff, v10  }
0x66: {  	s8 =	sadd.s32 $0xA, s19;
	s2 =	sand.u32 $0x78, s2;
	v9 =	vmov s20;
	v10 =	vmov s21;
	v21 =	vmov s1;
	v20 =	vld [tilespmem:s11+$0x30]  }
0x67: {  	s8 =	sand.u32 $0x78, s8;
	v9 =	vshrl.u32 v9, $0x3;
	v22 =	vmov s2;
	s1 =	sadd.s32 $0x9, s19;
	v10 =	vshrl.u32 v10, $0x3;
	v23 =	vld [tilespmem:s11+$0x70];
	[tilespmem:v7+s4+$0x0] =	vst.idx.msk $0xffff, v16  }
0x68: {  	s1 =	sand.u32 $0x78, s1;
	v7 =	vshll.u32 v9, v1;
	v9 =	vshll.u32 v10, v1;
	v10 =	vshrl.u32 v21, $0x3;
	v27 =	vld [tilespmem:s18+$0xFFFFFF90];
	[tilespmem:v14+s4+$0x0] =	vst.idx.msk $0xffff, v8  }
0x69: {  	v14 =	vshrl.u32 v22, $0x3;
	v21 =	vbroadcast v7, $0x0;
	v8 =	vbroadcast v9, $0x0;
	v16 =	vld [tilespmem:s18+$0x10];
	[tilespmem:v12+s4+$0x0] =	vst.idx.msk $0xffff, v17  }
0x6a: {  	v31 =	vadd.s32 v0, v13;
	v7 =	vadd.s32 v2, v13;
	v12 =	vld [tilespmem:s11+$0x10]  }
0x6b: {  	s2 =	sadd.s32 $0xF, s19;
	v22 =	vshll.u32 v10, v1;
	v17 =	vadd.s32 v31, v8;
	v8 =	vadd.s32 v7, v8;
	v13 =	vld [tilespmem:s18+$0x0]  }
0x6c: {  	s2 =	sand.u32 $0x78, s2;
	v9 =	vadd.s32 v15, v7;
	v24 =	vadd.s32 v7, v21;
	v17 =	vor.u32 $0x5, v17;
	v10 =	vld [tilespmem:s11+$0x0]  }
0x6d: {  	v25 =	vmov s1;
	v32 =	vor.u32 $0x5, v8;
	v8 =	vadd.f32 v19, v26;
	v29 =	vld [tilespmem:s18+$0xFFFFFFE0]  }
0x6e: {  	v33 =	vadd.s32 v15, v31;
	v15 =	vmov s8;
	v21 =	vadd.s32 v31, v21;
	v19 =	vld [tilespmem:s11+$0xFFFFFFE0]  }
0x6f: {  	v25 =	vshrl.u32 v25, $0x3;
	v34 =	vor.u32 $0x4, v24;
	v24 =	vadd.f32 v28, v30;
	v26 =	vld [tilespmem:s18+$0xFFFFFFC0]  }
0x70: {  	v15 =	vshrl.u32 v15, $0x3;
	v12 =	vadd.f32 v16, v12;
	v16 =	vmov s2;
	v28 =	vld [tilespmem:s11+$0xFFFFFFC0]  }
0x71: {  	v25 =	vshll.u32 v25, v1;
	v20 =	vadd.f32 v11, v20;
	v30 =	vld [tilespmem:s18+$0xFFFFFFA0];
	v35 =	vadd.f32 v13, v10  }
0x72: {  	v16 =	vshrl.u32 v16, $0x3;
	v10 =	vshll.u32 v14, v1;
	v14 =	vor.u32 $0x4, v21;
	v36 =	vld [tilespmem:s11+$0xFFFFFFA0]  }
0x73: {  	v13 =	vbroadcast v25, $0x0;
	v37 =	vld [tilespmem:s18+$0xFFFFFF80];
	v11 =	vadd.f32 v29, v19;
	v19 =	vshll.u32 v16, v1  }
0x74: {  	v15 =	vshll.u32 v15, v1;
	v21 =	vbroadcast v10, $0x0;
	v10 =	vadd.f32 v18, v23;
	v29 =	vld [tilespmem:s11+$0xFFFFFF80]  }
0x75: {  	v15 =	vbroadcast v15, $0x0;
	v25 =	vadd.s32 v31, v13;
	v23 =	vld [tilespmem:s11+$0xFFFFFF90];
	v18 =	vadd.f32 v26, v28;
	[tilespmem:v17+s4+$0x0] =	vst.idx.msk $0xffff, v24  }
0x76: {  	v26 =	vadd.s32 v7, v21;
	v28 =	vbroadcast v19, $0x0;
	v16 =	vld [tilespmem:s11+$0xFFFFFFB0];
	[tilespmem:v32+s4+$0x0] =	vst.idx.msk $0xffff, v20;
	v32 =	vbroadcast v22, $0x0  }
.Ltmp2:
0x77: {  	v20 =	vadd.s32 v31, v15;
	v22 =	vadd.s32 v31, v21;
	v17 =	vadd.f32 v30, v36;
	v24 =	vld [tilespmem:s18+$0xFFFFFFF0];
	(pc) =	sbr.rel @p1 .LBB2_6-.Ltmp2, $4  }
0x78: {  	v19 =	vor.u32 $0x1, v25;
	v25 =	vor.u32 $0x2, v20;
	v30 =	vadd.s32 v7, v15;
	v21 =	vld [tilespmem:s18+$0xFFFFFFB0];
	[tilespmem:v14+s4+$0x0] =	vst.idx.msk $0xffff, v35  }
0x79: {  	v35 =	vadd.s32 v7, v32;
	v14 =	vadd.f32 v37, v29;
	v15 =	vld [tilespmem:s11+$0x50];
	v29 =	vadd.s32 v31, v28  }
0x7a: {  	v20 =	vor.u32 $0x3, v26;
	v28 =	vadd.s32 v7, v28;
	v27 =	vadd.f32 v27, v23;
	[tilespmem:v34+s4+$0x0] =	vst.idx.msk $0xffff, v12;
	v26 =	vld [tilespmem:s11+$0x60]  }
0x7b: {  	s18 =	sadd.s32 $0x100, s18;
	v12 =	vor.u32 $0x2, v30;
	v30 =	vadd.s32 v31, v32;
	[tilespmem:v33+s4+$0x0] =	vst.idx.msk $0xffff, v14;
	v23 =	vld [tilespmem:s11+$0xFFFFFFD0];
	v14 =	vor.u32 $0x6, v35  }
0x7c: {  	_ =	sdelay $0x1  }
0x7d: {  	v30 =	vor.u32 $0x6, v30  }
0x7e: {  	v22 =	vor.u32 $0x3, v22  }
0x7f: {  	[tilespmem:v25+s4+$0x0] =	vst.idx.msk $0xffff, v18;
	v61 =	vor.u32 $0x7, v29  }
0x80: {  	[tilespmem:v9+s4+$0x0] =	vst.idx.msk $0xffff, v27  }
0x81: {  	v62 =	vor.u32 $0x7, v28;
	v7 =	vadd.s32 v7, v13;
	[tilespmem:v19+s4+$0x0] =	vst.idx.msk $0xffff, v17  }
0x82: {  	v7 =	vor.u32 $0x1, v7;
	v5 =	vadd.f32 v5, v26;
	[tilespmem:v30+s4+$0x0] =	vst.idx.msk $0xffff, v8  }
0x83: {  	v6 =	vadd.f32 v24, v6;
	[tilespmem:v22+s4+$0x0] =	vst.idx.msk $0xffff, v11  }
0x84: {  	[tilespmem:v61+s4+$0x0] =	vst.idx.msk $0xffff, v5  }
0x85: {  	v63 =	vadd.f32 v21, v16;
	[tilespmem:v20+s4+$0x0] =	vst.idx.msk $0xffff, v6  }
0x86: {  	s1 =	sadd.s32 s7, s13;
	v4 =	vadd.f32 v4, v15;
	[tilespmem:v62+s4+$0x0] =	vst.idx.msk $0xffff, v10  }
0x87: {  	s2 =	rddreg [dreg:$0x2];
	s1 =	sshll.u32 s1, $0xC;
	v3 =	vadd.f32 v3, v23;
	[tilespmem:v7+s4+$0x0] =	vst.idx.msk $0xffff, v63  }
0x88: {  	s17 =	simm.s32 $0x8400;
	s11 =	sadd.s32 s2, s1;
	[tilespmem:v14+s4+$0x0] =	vst.idx.msk $0xffff, v4  }
0x89: {  	s18 =	simm.s32 $0x10;
	s19 =	simm.s32 $0x8488;
	s20 =	sadd.s32 $0x0, s11;
	[tilespmem:v12+s4+$0x0] =	vst.idx.msk $0xffff, v3  }
.LBB2_8:
0x8a: {  	[hbm4b:s20+s3] =	stream.linear.scatter [tilespmem:s17], [sflag:$0x3], $0x80, $0x38;
	[tilespmem:$0x18C00] =	vst v63  }
0x8b: {  	s1 =	smov.u32 s18;
	s17 =	smov.u32 s19;
	p1 =	sne.s32 s18, $0x1F0  }
.Ltmp3:
0x8c: {  	s18 =	sadd.s32 $0x10, s18;
	(pc) =	sbr.rel @p1 .LBB2_8-.Ltmp3, $2  }
0x8d: {  	_ =	sdelay $0x2  }
0x8e: {  	s19 =	sadd.s32 $0x88, s19;
	s20 =	sadd.s32 s1, s11  }
0x8f: {  	[hbm4b:s20+s3] =	stream.linear.scatter [tilespmem:s17], [sflag:$0x3], $0x80, $0x38;
	[tilespmem:$0x18C00] =	vst v63  }
0x90: {  	s17 =	sadd.s32 $0x400, s11;
	s18 =	simm.s32 $0x9500  }
0x91: {  	s19 =	simm.s32 $0x10;
	s20 =	simm.s32 $0x9588;
	s21 =	sadd.s32 $0x0, s17  }
.LBB2_10:
0x92: {  	[hbm4b:s21+s3] =	stream.linear.scatter [tilespmem:s18], [sflag:$0x3], $0x80, $0x38;
	[tilespmem:$0x18C00] =	vst v63  }
0x93: {  	s1 =	smov.u32 s19;
	s18 =	smov.u32 s20;
	p1 =	sne.s32 s19, $0x1F0  }
.Ltmp4:
0x94: {  	s19 =	sadd.s32 $0x10, s19;
	(pc) =	sbr.rel @p1 .LBB2_10-.Ltmp4, $2  }
0x95: {  	_ =	sdelay $0x2  }
0x96: {  	s20 =	sadd.s32 $0x88, s20;
	s21 =	sadd.s32 s1, s17  }
0x97: {  	[hbm4b:s21+s3] =	stream.linear.scatter [tilespmem:s18], [sflag:$0x3], $0x80, $0x38;
	[tilespmem:$0x18C00] =	vst v63  }
0x98: {  	s17 =	sadd.s32 $0x800, s11;
	s18 =	simm.s32 $0xA600  }
0x99: {  	s19 =	simm.s32 $0x10;
	s20 =	simm.s32 $0xA688;
	s21 =	sadd.s32 $0x0, s17  }
.LBB2_12:
0x9a: {  	[hbm4b:s21+s3] =	stream.linear.scatter [tilespmem:s18], [sflag:$0x3], $0x80, $0x38;
	[tilespmem:$0x18C00] =	vst v63  }
0x9b: {  	s1 =	smov.u32 s19;
	s18 =	smov.u32 s20;
	p1 =	sne.s32 s19, $0x1F0  }
.Ltmp5:
0x9c: {  	s19 =	sadd.s32 $0x10, s19;
	(pc) =	sbr.rel @p1 .LBB2_12-.Ltmp5, $2  }
0x9d: {  	_ =	sdelay $0x2  }
0x9e: {  	s20 =	sadd.s32 $0x88, s20;
	s21 =	sadd.s32 s1, s17  }
0x9f: {  	[hbm4b:s21+s3] =	stream.linear.scatter [tilespmem:s18], [sflag:$0x3], $0x80, $0x38;
	[tilespmem:$0x18C00] =	vst v63  }
0xa0: {  	s17 =	sadd.s32 $0xC00, s11;
	s18 =	simm.s32 $0xB700  }
0xa1: {  	s19 =	simm.s32 $0x10;
	s20 =	simm.s32 $0xB788;
	s21 =	sadd.s32 $0x0, s17  }
.LBB2_14:
0xa2: {  	[hbm4b:s21+s3] =	stream.linear.scatter [tilespmem:s18], [sflag:$0x3], $0x80, $0x38;
	[tilespmem:$0x18C00] =	vst v63  }
0xa3: {  	s1 =	smov.u32 s19;
	s18 =	smov.u32 s20;
	p1 =	sne.s32 s19, $0x1F0  }
.Ltmp6:
0xa4: {  	s19 =	sadd.s32 $0x10, s19;
	(pc) =	sbr.rel @p1 .LBB2_14-.Ltmp6, $2  }
0xa5: {  	_ =	sdelay $0x2  }
0xa6: {  	s20 =	sadd.s32 $0x88, s20;
	s21 =	sadd.s32 s1, s17  }
0xa7: {  	p1 =	sne.s32 s13, $0x1F  }
.Ltmp7:
0xa8: {  	_ = 	snop;
	(pc) =	sbr.rel @p1 .LBB2_17-.Ltmp7, $2  }
0xa9: {  	_ =	sdelay $0x2  }
0xaa: {  	[hbm4b:s21+s3] =	stream.linear.scatter [tilespmem:s18], [sflag:$0x3], $0x80, $0x38;
	[tilespmem:$0x18C00] =	vst v63  }
.Ltmp8:
0xab: {  	(pc) =	sbr.rel .LBB2_18-.Ltmp8, $4  }
0xac: {  	_ = 	snop  }
0xad: {  	_ =	swait.ge [sflag:s12], $0x4000  }
0xae: {  	[sflag:s12] =	ssyncset.done $0x0  }
0xaf: {  	[sflag:s12] =	ssyncadd.s32 $0xFFFFC000  }
.LBB2_17:
0xb0: {  	_ =	swait.ge [sflag:s16], $0x200  }
0xb1: {  	[sflag:s16] =	ssyncset.done $0x0  }
0xb2: {  	[sflag:s16] =	ssyncadd.s32 $0xFFFFFE00  }
0xb3: {  	[tilespmem:s15], [sflag:$0x1] =	stream.indirect.gather [hbm4b:s5+s14], $0x20, s3, s14, $0xb8;
	[tilespmem:$0x18C00] =	vst v63  }
0xb4: {  	s1 =	simm.s32 $0x1400  }
0xb5: {  	[tilespmem:s1], [sflag:$0x1] =	stream.indirect.gather [hbm4b:s5+s14], $0x20, s14, s14, $0xb8;
	[tilespmem:$0x18C00] =	vst v63  }
0xb6: {  	s17 =	simm.s32 $0x100;
	s2 =	simm.s32 $0x2400;
	s20 =	sadd.s32 $0x1, s13  }
0xb7: {  	[tilespmem:s2], [sflag:$0x1] =	stream.indirect.gather [hbm4b:s5+s14], $0x20, s17, s14, $0xb8;
	[tilespmem:$0x18C00] =	vst v63  }
0xb8: {  	s18 =	simm.s32 $0x180;
	s19 =	simm.s32 $0x3400;
	s21 =	sadd.s32 s7, s20  }
0xb9: {  	[tilespmem:s19], [sflag:$0x1] =	stream.indirect.gather [hbm4b:s5+s14], $0x20, s18, s14, $0xb8;
	[tilespmem:$0x18C00] =	vst v63  }
.Ltmp9:
0xba: {  	s1 =	sshll.u32 s20, $0x4;
	s2 =	sshll.u32 s21, $0x7;
	(pc) =	sbr.rel @p0 .LBB2_19-.Ltmp9, $4  }
0xbb: {  	s1 =	sand.u32 $0x70, s1;
	s2 =	sand.u32 $0x3FC00, s2;
	_ =	swait.ge [sflag:s12], $0x4000  }
0xbc: {  	s1 =	sor.u32 s2, s1;
	[sflag:s12] =	ssyncset.done $0x0;
	s24 =	rddreg [dreg:$0x5]  }
0xbd: {  	[sflag:s12] =	ssyncadd.s32 $0xFFFFC000;
	s1 =	sadd.s32 s1, s24  }
0xbe: {  	[tilespmem:s22], [sflag:$0x6] =	stream.strided.gather [hbm4b:s1+s14], $0x200, s15, s14, $0x38;
	[tilespmem:$0x18C00] =	vst v63  }
.LBB2_18:
0xbf: {  	_ =	swait.ge [sflag:s6], $0x4000  }
0xc0: {  	[sflag:s6] =	ssyncset.done $0x0  }
0xc1: {  	[sflag:s6] =	ssyncadd.s32 $0xFFFFC000  }
.LBB2_19:
0xc2: {  	s17 =	simm.s32 $0x0  }
0xc3: {  	v9 =	vld [tilespmem:s17+$0x14C40]  }
0xc4: {  	v3 =	vld [tilespmem:s17+$0x14CB0]  }
0xc5: {  	v10 =	vld [tilespmem:s17+$0x4440]  }
0xc6: {  	v11 =	vld [tilespmem:s17+$0x14C70]  }
0xc7: {  	s1 =	simm.s32 $0x7;
	s2 =	simm.s32 $0x0;
	s18 =	simm.s32 $0x0;
	v6 =	vld [tilespmem:s17+$0x4430]  }
0xc8: {  	s8 =	simm.s32 $0x1;
	s20 =	simm.s32 $0x6;
	s1 =	sand.u32 $0x78, s1;
	v8 =	vld [tilespmem:s17+$0x14C10]  }
0xc9: {  	s24 =	simm.s32 $0x5;
	v4 =	vmov s2;
	s19 =	sand.u32 $0x78, s18;
	v13 =	vld [tilespmem:s17+$0x44F0];
	s21 =	sand.u32 $0x78, s8;
	v5 =	vmov s1  }
0xca: {  	v14 =	vld [tilespmem:s17+$0x4410];
	s8 =	sand.u32 $0x78, s24;
	v4 =	vmul.u32 $0x440, v4;
	v7 =	vmov s19;
	s1 =	sand.u32 $0x78, s20;
	v12 =	vmov s21  }
0xcb: {  	v15 =	vld [tilespmem:s17+$0x14CA0];
	v18 =	vmov s8;
	v5 =	vshrl.u32 v5, $0x3;
	v16 =	vmov s1  }
0xcc: {  	v17 =	vld [tilespmem:s17+$0x4400];
	s19 =	simm.s32 $0x2;
	v12 =	vshrl.u32 v12, $0x3;
	v18 =	vshrl.u32 v18, $0x3;
	v7 =	vshrl.u32 v7, $0x3  }
0xcd: {  	v19 =	vld [tilespmem:s17+$0x44A0];
	s20 =	sand.u32 $0x78, s19;
	v5 =	vshll.u32 v5, v1;
	v4 =	vbroadcast v4, $0x0;
	v12 =	vshll.u32 v12, v1  }
0xce: {  	v25 =	vld [tilespmem:s17+$0x44E0];
	v21 =	vmov s20;
	v18 =	vshll.u32 v18, v1;
	v23 =	vshll.u32 v7, v1  }
0xcf: {  	v22 =	vld [tilespmem:s17+$0x14CC0];
	v16 =	vshrl.u32 v16, $0x3;
	v5 =	vbroadcast v5, $0x0;
	v12 =	vbroadcast v12, $0x0  }
0xd0: {  	v27 =	vld [tilespmem:s17+$0x14C50];
	s24 =	simm.s32 $0x3;
	v21 =	vshrl.u32 v21, $0x3;
	v18 =	vbroadcast v18, $0x0;
	v16 =	vshll.u32 v16, v1  }
0xd1: {  	v29 =	vld [tilespmem:s17+$0x14C30];
	s2 =	sand.u32 $0x78, s24;
	v20 =	vadd.s32 v0, v4;
	v26 =	vadd.s32 v2, v4;
	v4 =	vshll.u32 v21, v1  }
0xd2: {  	v32 =	vld [tilespmem:s17+$0x14CF0];
	v38 =	vadd.f32 v15, v19;
	v15 =	vmov s2;
	v7 =	vadd.s32 v20, v12  }
0xd3: {  	v36 =	vld [tilespmem:s17+$0x14C20];
	s21 =	simm.s32 $0x4;
	v4 =	vbroadcast v4, $0x0;
	v28 =	vadd.s32 v26, v5;
	v30 =	vadd.s32 v26, v12  }
0xd4: {  	v37 =	vld [tilespmem:s17+$0x4420];
	s1 =	sand.u32 $0x78, s21;
	v12 =	vbroadcast v16, $0x0;
	v16 =	vadd.s32 v20, v5;
	v24 =	vadd.s32 v20, v18  }
0xd5: {  	v39 =	vld [tilespmem:s17+$0x14C00];
	v33 =	vadd.s32 v26, v18;
	v18 =	vmov s1;
	v15 =	vshrl.u32 v15, $0x3  }
0xd6: {  	v41 =	vld [tilespmem:s17+$0x14CE0];
	v34 =	vor.u32 $0x1, v7;
	v18 =	vshrl.u32 v18, $0x3;
	v40 =	vor.u32 $0x7, v16  }
0xd7: {  	v21 =	vld [tilespmem:s17+$0x44C0];
	v15 =	vshll.u32 v15, v1;
	v43 =	vor.u32 $0x5, v24;
	v31 =	vadd.s32 v20, v4  }
0xd8: {  	v42 =	vld [tilespmem:s17+$0x4460];
	v5 =	vadd.s32 v26, v4;
	v35 =	vadd.s32 v20, v12;
	v7 =	vadd.s32 v26, v12  }
0xd9: {  	v46 =	vld [tilespmem:s17+$0x14C60];
	v12 =	vbroadcast v23, $0x0;
	v16 =	vshll.u32 v18, v1;
	v45 =	vbroadcast v15, $0x0  }
0xda: {  	v47 =	vld [tilespmem:s17+$0x4470];
	v23 =	vadd.f32 v8, v14;
	v15 =	vadd.f32 v29, v6;
	v6 =	vor.u32 $0x5, v33  }
0xdb: {  	v4 =	vld [tilespmem:s17+$0x44D0];
	v19 =	vbroadcast v16, $0x0;
	v44 =	vadd.s32 v12, v20;
	v16 =	vadd.s32 v12, v26  }
0xdc: {  	v14 =	vld [tilespmem:s17+$0x4450];
	v12 =	vadd.f32 v22, v21;
	v24 =	vadd.s32 v20, v45;
	v21 =	vadd.f32 v32, v13  }
0xdd: {  	v8 =	vld [tilespmem:s17+$0x44B0];
	v13 =	vadd.f32 v36, v37;
	v18 =	vadd.s32 v20, v19;
	v20 =	vadd.f32 v39, v17  }
0xde: {  	v29 =	vor.u32 $0x7, v28;
	v28 =	vld [tilespmem:s17+$0x14C80];
	v17 =	vadd.f32 v9, v10;
	v9 =	vadd.f32 v41, v25;
	[tilespmem:v43+s9+$0x0] =	vst.idx.msk $0xffff, v38  }
0xdf: {  	v22 =	vld [tilespmem:s17+$0x4480];
	v19 =	vadd.s32 v26, v19;
	v26 =	vadd.s32 v26, v45;
	v25 =	vor.u32 $0x1, v30;
	[tilespmem:v34+s9+$0x0] =	vst.idx.msk $0xffff, v13  }
0xe0: {  	v30 =	vor.u32 $0x6, v35;
	v10 =	vadd.f32 v11, v47;
	v11 =	vor.u32 $0x3, v26;
	v26 =	vld [tilespmem:s17+$0x14C90];
	[tilespmem:v40+s9+$0x0] =	vst.idx.msk $0xffff, v9  }
0xe1: {  	s19 =	simm.s32 $0x400;
	v13 =	vadd.f32 v46, v42;
	v14 =	vadd.f32 v27, v14;
	v27 =	vor.u32 $0x2, v31;
	[tilespmem:v44+s9+$0x0] =	vst.idx.msk $0xffff, v20;
	v20 =	vld [tilespmem:s17+$0x4490]  }
.LBB2_20:
0xe2: {  	s1 =	sadd.s32 $0xF, s18  }
0xe3: {  	[tilespmem:v16+s9+$0x0] =	vst.idx.msk $0xffff, v23;
	v16 =	vor.u32 $0x3, v24;
	v19 =	vor.u32 $0x4, v19;
	v23 =	vadd.f32 v3, v8;
	v24 =	vld [tilespmem:s17+$0x14CD0];
	s17 =	sshra.s32 s19, $0x2;
	s2 =	smov.u32 s18;
	s18 =	sadd.s32 $0x8, s18  }
0xe4: {  	v5 =	vor.u32 $0x2, v5;
	v18 =	vor.u32 $0x4, v18;
	v7 =	vor.u32 $0x6, v7;
	s8 =	sshrl.u32 s18, $0x7;
	s21 =	sand.u32 $0x78, s18;
	v8 =	vld [tilespmem:s17+$0x14C40];
	s1 =	sand.u32 $0x78, s1;
	[tilespmem:v29+s9+$0x0] =	vst.idx.msk $0xffff, v21  }
0xe5: {  	s20 =	sadd.s32 $0xC, s2;
	s24 =	sadd.s32 $0xE, s2;
	v9 =	vmov s8;
	s8 =	sadd.s32 $0x9, s2;
	v3 =	vld [tilespmem:s17+$0x14CB0];
	v21 =	vmov s1;
	v22 =	vadd.f32 v28, v22;
	[tilespmem:v30+s9+$0x0] =	vst.idx.msk $0xffff, v12  }
0xe6: {  	v12 =	vmov s21;
	s24 =	sand.u32 $0x78, s24;
	v28 =	vmul.u32 $0x440, v9;
	s1 =	sand.u32 $0x78, s8;
	v29 =	vld [tilespmem:s17+$0x4440];
	s8 =	sadd.s32 $0xB, s2;
	v21 =	vshrl.u32 v21, $0x3;
	[tilespmem:v25+s9+$0x0] =	vst.idx.msk $0xffff, v15  }
0xe7: {  	p0 =	slt.u32 s18, $0x1F8;
	v15 =	vmov s24;
	s21 =	sand.u32 $0x78, s8;
	v9 =	vld [tilespmem:s17+$0x14C70];
	s8 =	sadd.s32 $0xD, s2;
	v21 =	vshll.u32 v21, v1;
	[tilespmem:v27+s9+$0x0] =	vst.idx.msk $0xffff, v17;
	v17 =	vadd.f32 v26, v20  }
0xe8: {  	v25 =	vmov s1;
	v20 =	vbroadcast v28, $0x0;
	v26 =	vld [tilespmem:s17+$0x4430];
	s1 =	sand.u32 $0x78, s8;
	v21 =	vbroadcast v21, $0x0;
	[tilespmem:v6+s9+$0x0] =	vst.idx.msk $0xffff, v23  }
0xe9: {  	s2 =	sadd.s32 $0xA, s2;
	v6 =	vshrl.u32 v25, $0x3;
	v4 =	vadd.f32 v24, v4;
	v23 =	vld [tilespmem:s17+$0x14C10];
	v25 =	vmov s1;
	[tilespmem:v18+s9+$0x0] =	vst.idx.msk $0xffff, v22  }
0xea: {  	v6 =	vshll.u32 v6, v1;
	s1 =	sand.u32 $0x78, s2;
	v22 =	vadd.s32 v0, v20;
	v18 =	vshrl.u32 v25, $0x3;
	v25 =	vld [tilespmem:s17+$0x44F0];
	[tilespmem:v16+s9+$0x0] =	vst.idx.msk $0xffff, v13  }
0xeb: {  	v6 =	vbroadcast v6, $0x0;
	v16 =	vmov s1;
	v13 =	vld [tilespmem:s17+$0x4410];
	v18 =	vshll.u32 v18, v1;
	[tilespmem:v5+s9+$0x0] =	vst.idx.msk $0xffff, v14  }
0xec: {  	v5 =	vshrl.u32 v12, $0x3;
	v14 =	vadd.s32 v2, v20;
	v12 =	vshrl.u32 v16, $0x3;
	v16 =	vld [tilespmem:s17+$0x14CA0];
	[tilespmem:v7+s9+$0x0] =	vst.idx.msk $0xffff, v4  }
0xed: {  	v4 =	vshll.u32 v5, v1;
	v7 =	vadd.s32 v22, v6;
	v5 =	vshll.u32 v12, v1;
	v20 =	vld [tilespmem:s17+$0x4400]  }
0xee: {  	v15 =	vshrl.u32 v15, $0x3;
	v27 =	vadd.s32 v14, v21;
	v5 =	vbroadcast v5, $0x0;
	v12 =	vld [tilespmem:s17+$0x44A0];
	[tilespmem:v19+s9+$0x0] =	vst.idx.msk $0xffff, v17  }
0xef: {  	v15 =	vshll.u32 v15, v1;
	v28 =	vadd.s32 v14, v6;
	v6 =	vbroadcast v18, $0x0;
	v30 =	vld [tilespmem:s17+$0x44E0];
	[tilespmem:v11+s9+$0x0] =	vst.idx.msk $0xffff, v10  }
0xf0: {  	v15 =	vbroadcast v15, $0x0;
	v17 =	vadd.s32 v22, v21;
	v10 =	vadd.s32 v22, v5;
	v11 =	vld [tilespmem:s17+$0x14CC0]  }
0xf1: {  	v21 =	vadd.s32 v22, v6;
	v6 =	vadd.s32 v14, v6;
	v5 =	vadd.s32 v14, v5;
	v18 =	vld [tilespmem:s17+$0x44C0]  }
0xf2: {  	v33 =	vadd.s32 v22, v15;
	v31 =	vor.u32 $0x1, v7;
	v7 =	vadd.s32 v14, v15;
	v32 =	vld [tilespmem:s17+$0x14C50]  }
0xf3: {  	s1 =	sand.u32 $0x78, s20;
	v4 =	vbroadcast v4, $0x0;
	v6 =	vor.u32 $0x5, v6;
	v15 =	vld [tilespmem:s17+$0x14C30];
	v34 =	vadd.f32 v16, v12  }
0xf4: {  	v19 =	vmov s1;
	v36 =	vor.u32 $0x7, v17;
	v12 =	vmov s21;
	v35 =	vld [tilespmem:s17+$0x14CF0]  }
0xf5: {  	v37 =	vadd.s32 v4, v22;
	v17 =	vshrl.u32 v19, $0x3;
	v16 =	vadd.s32 v4, v14;
	v4 =	vld [tilespmem:s17+$0x44D0]  }
0xf6: {  	v17 =	vshll.u32 v17, v1;
	v19 =	vshrl.u32 v12, $0x3;
	v38 =	vld [tilespmem:s17+$0x14C20];
	v12 =	vadd.f32 v11, v18  }
0xf7: {  	v17 =	vbroadcast v17, $0x0;
	v18 =	vshll.u32 v19, v1;
	v11 =	vld [tilespmem:s17+$0x4420]  }
0xf8: {  	v40 =	vbroadcast v18, $0x0;
	v39 =	vld [tilespmem:s17+$0x14C00]  }
0xf9: {  	v19 =	vadd.s32 v14, v17;
	v18 =	vadd.s32 v22, v17;
	v41 =	vld [tilespmem:s17+$0x14CE0]  }
0xfa: {  	v42 =	vor.u32 $0x5, v21;
	v23 =	vadd.f32 v23, v13;
	v24 =	vadd.s32 v22, v40;
	v13 =	vld [tilespmem:s17+$0x4460]  }
0xfb: {  	v15 =	vadd.f32 v15, v26;
	v40 =	vadd.s32 v14, v40;
	v26 =	vld [tilespmem:s17+$0x14C60]  }
0xfc: {  	v21 =	vadd.f32 v35, v25;
	v14 =	vld [tilespmem:s17+$0x4450]  }
0xfd: {  	v11 =	vadd.f32 v38, v11;
	v20 =	vadd.f32 v39, v20;
	v35 =	vld [tilespmem:s17+$0x4470]  }
.Ltmp10:
0xfe: {  	v17 =	vadd.f32 v8, v29;
	v8 =	vld [tilespmem:s17+$0x44B0];
	v38 =	vadd.f32 v41, v30;
	(pc) =	sbr.rel @p0 .LBB2_20-.Ltmp10, $4  }
0xff: {  	v29 =	vor.u32 $0x7, v27;
	v22 =	vld [tilespmem:s17+$0x4480];
	[tilespmem:v42+s9+$0x0] =	vst.idx.msk $0xffff, v34  }
0x100: {  	v25 =	vor.u32 $0x1, v28;
	v30 =	vor.u32 $0x6, v33;
	[tilespmem:v31+s9+$0x0] =	vst.idx.msk $0xffff, v11;
	v13 =	vadd.f32 v26, v13;
	v28 =	vld [tilespmem:s17+$0x14C80]  }
0x101: {  	[tilespmem:v37+s9+$0x0] =	vst.idx.msk $0xffff, v20;
	v14 =	vadd.f32 v32, v14;
	v20 =	vld [tilespmem:s17+$0x4490]  }
0x102: {  	s19 =	sadd.s32 $0x400, s19;
	v27 =	vor.u32 $0x2, v10;
	v11 =	vor.u32 $0x3, v40;
	v10 =	vadd.f32 v9, v35;
	v26 =	vld [tilespmem:s17+$0x14C90];
	[tilespmem:v36+s9+$0x0] =	vst.idx.msk $0xffff, v38  }
0x103: {  	_ =	sdelay $0x3  }
0x104: {  	[tilespmem:v16+s9+$0x0] =	vst.idx.msk $0xffff, v23  }
0x105: {  	v59 =	vor.u32 $0x4, v18;
	[tilespmem:v29+s9+$0x0] =	vst.idx.msk $0xffff, v21  }
0x106: {  	v9 =	vld [tilespmem:s17+$0x14CD0];
	v60 =	vor.u32 $0x3, v24;
	[tilespmem:v30+s9+$0x0] =	vst.idx.msk $0xffff, v12  }
0x107: {  	v3 =	vadd.f32 v3, v8;
	v5 =	vor.u32 $0x2, v5;
	[tilespmem:v25+s9+$0x0] =	vst.idx.msk $0xffff, v15  }
0x108: {  	[tilespmem:v27+s9+$0x0] =	vst.idx.msk $0xffff, v17;
	v62 =	vor.u32 $0x4, v19;
	v61 =	vadd.f32 v28, v22  }
0x109: {  	[tilespmem:v6+s9+$0x0] =	vst.idx.msk $0xffff, v3  }
0x10a: {  	v7 =	vor.u32 $0x6, v7;
	[tilespmem:v59+s9+$0x0] =	vst.idx.msk $0xffff, v61  }
0x10b: {  	v63 =	vadd.f32 v26, v20;
	[tilespmem:v60+s9+$0x0] =	vst.idx.msk $0xffff, v13  }
0x10c: {  	[tilespmem:v5+s9+$0x0] =	vst.idx.msk $0xffff, v14  }
0x10d: {  	v3 =	vadd.f32 v9, v4;
	[tilespmem:v62+s9+$0x0] =	vst.idx.msk $0xffff, v63  }
0x10e: {  	s11 =	sadd.s32 $0x200, s11;
	s17 =	simm.s32 $0xC800;
	[tilespmem:v11+s9+$0x0] =	vst.idx.msk $0xffff, v10  }
0x10f: {  	s18 =	simm.s32 $0x10;
	s19 =	simm.s32 $0xC888;
	s20 =	sadd.s32 $0x0, s11;
	[tilespmem:v7+s9+$0x0] =	vst.idx.msk $0xffff, v3  }
.LBB2_22:
0x110: {  	[hbm4b:s20+s3] =	stream.linear.scatter [tilespmem:s17], [sflag:$0x4], $0x80, $0x38;
	[tilespmem:$0x18C00] =	vst v63  }
0x111: {  	s1 =	smov.u32 s18;
	s17 =	smov.u32 s19;
	p0 =	sne.s32 s18, $0x1F0  }
.Ltmp11:
0x112: {  	s18 =	sadd.s32 $0x10, s18;
	(pc) =	sbr.rel @p0 .LBB2_22-.Ltmp11, $2  }
0x113: {  	_ =	sdelay $0x2  }
0x114: {  	s19 =	sadd.s32 $0x88, s19;
	s20 =	sadd.s32 s1, s11  }
0x115: {  	[hbm4b:s20+s3] =	stream.linear.scatter [tilespmem:s17], [sflag:$0x4], $0x80, $0x38;
	[tilespmem:$0x18C00] =	vst v63  }
0x116: {  	s17 =	sadd.s32 $0x400, s11;
	s18 =	simm.s32 $0xD900  }
0x117: {  	s19 =	simm.s32 $0x10;
	s20 =	simm.s32 $0xD988;
	s21 =	sadd.s32 $0x0, s17  }
.LBB2_24:
0x118: {  	[hbm4b:s21+s3] =	stream.linear.scatter [tilespmem:s18], [sflag:$0x4], $0x80, $0x38;
	[tilespmem:$0x18C00] =	vst v63  }
0x119: {  	s1 =	smov.u32 s19;
	s18 =	smov.u32 s20;
	p0 =	sne.s32 s19, $0x1F0  }
.Ltmp12:
0x11a: {  	s19 =	sadd.s32 $0x10, s19;
	(pc) =	sbr.rel @p0 .LBB2_24-.Ltmp12, $2  }
0x11b: {  	_ =	sdelay $0x2  }
0x11c: {  	s20 =	sadd.s32 $0x88, s20;
	s21 =	sadd.s32 s1, s17  }
0x11d: {  	[hbm4b:s21+s3] =	stream.linear.scatter [tilespmem:s18], [sflag:$0x4], $0x80, $0x38;
	[tilespmem:$0x18C00] =	vst v63  }
0x11e: {  	s17 =	sadd.s32 $0x800, s11;
	s18 =	simm.s32 $0xEA00  }
0x11f: {  	s19 =	simm.s32 $0x10;
	s20 =	simm.s32 $0xEA88;
	s21 =	sadd.s32 $0x0, s17  }
.LBB2_26:
0x120: {  	[hbm4b:s21+s3] =	stream.linear.scatter [tilespmem:s18], [sflag:$0x4], $0x80, $0x38;
	[tilespmem:$0x18C00] =	vst v63  }
0x121: {  	s1 =	smov.u32 s19;
	s18 =	smov.u32 s20;
	p0 =	sne.s32 s19, $0x1F0  }
.Ltmp13:
0x122: {  	s19 =	sadd.s32 $0x10, s19;
	(pc) =	sbr.rel @p0 .LBB2_26-.Ltmp13, $2  }
0x123: {  	_ =	sdelay $0x2  }
0x124: {  	s20 =	sadd.s32 $0x88, s20;
	s21 =	sadd.s32 s1, s17  }
0x125: {  	[hbm4b:s21+s3] =	stream.linear.scatter [tilespmem:s18], [sflag:$0x4], $0x80, $0x38;
	[tilespmem:$0x18C00] =	vst v63  }
0x126: {  	s11 =	sadd.s32 $0xC00, s11;
	s17 =	simm.s32 $0xFB00  }
0x127: {  	s18 =	simm.s32 $0x10;
	s19 =	simm.s32 $0xFB88;
	s20 =	sadd.s32 $0x0, s11  }
.LBB2_28:
0x128: {  	[hbm4b:s20+s3] =	stream.linear.scatter [tilespmem:s17], [sflag:$0x4], $0x80, $0x38;
	[tilespmem:$0x18C00] =	vst v63  }
0x129: {  	s1 =	smov.u32 s18;
	s17 =	smov.u32 s19;
	p0 =	sne.s32 s18, $0x1F0  }
.Ltmp14:
0x12a: {  	s18 =	sadd.s32 $0x10, s18;
	(pc) =	sbr.rel @p0 .LBB2_28-.Ltmp14, $2  }
0x12b: {  	_ =	sdelay $0x2  }
0x12c: {  	s19 =	sadd.s32 $0x88, s19;
	s20 =	sadd.s32 s1, s11  }
0x12d: {  	s13 =	sadd.s32 $0x1, s13  }
0x12e: {  	p0 =	sne.s32 s13, $0x20  }
.Ltmp15:
0x12f: {  	_ = 	snop;
	(pc) =	sbr.rel @p0 .LBB2_2-.Ltmp15, $2  }
0x130: {  	_ =	sdelay $0x2  }
0x131: {  	[hbm4b:s20+s3] =	stream.linear.scatter [tilespmem:s17], [sflag:$0x4], $0x80, $0x38;
	[tilespmem:$0x18C00] =	vst v63  }
0x132: {  	_ =	swait.ge [sflag:s10], $0x4000  }
0x133: {  	[sflag:s10] =	ssyncset.done $0x0  }
0x134: {  	[sflag:s10] =	ssyncadd.s32 $0xFFFFC000  }
0x135: {  	_ =	swait.ge [sflag:s6], $0x4000  }
0x136: {  	s2 =	rddreg [dreg:$0x9]  }
0x137: {  	s1 =	rddreg [dreg:$0x8];
	s2 =	sadd.s32 $0x1, s2  }
0x138: {  	p0 =	sne.s32 s2, s1  }
.Ltmp16:
0x139: {  	_ = 	snop;
	(pc) =	sbr.rel @p0 .LBB2_1-.Ltmp16, $3  }
0x13a: {  	_ =	sdelay $0x1  }
0x13b: {  	[sflag:s6] =	ssyncset.done $0x0  }
0x13c: {  	[sflag:s6] =	ssyncadd.s32 $0xFFFFC000  }
0x13d: {  	_ =	sfence.sel $0x180000  }
0x13e: {  	[bflag:$0x0] =	sbarrier.arrive $0xFFFF  }
0x13f: {  	_ =	strace $0x90000047  }
0x140: {  	s0 =	stileid.u32;
	[bflag:$0x2] =	sbarrier.arrive $0xFFFF  }
0x141: {  	p0 =	sne.s32 s0, $0x0;
	s0 =	rddreg [dreg:$0x3]  }
0x142: {  	s0 =	sadd.s32 @!p0 $0x100000, s0  }
0x143: {  	[sflag:s0] =	ssyncadd.tile.s32 @!p0 $0x1;
	_ =	shalt  }
.Lfunc_end2:
_tile_overlayer_lowered:
.L_overlay_start_2:
0x144: {  	(tag) =	ssettag $0x2  }
0x145: {  	s0 =	rddreg [dreg:$0x0];
	s2 =	stileid.u32  }
0x146: {  	s1 =	rddreg [dreg:$0x1];
	p0 =	sne.s32 s2, $0x0  }
0x147: {  	s3 =	rddreg [dreg:$0x2];
	[bflag:$0x3] =	sbarrier.arrive $0xFFFF;
	s2 =	simm.s32 @!p0 $0x1C07  }
0x148: {  	[timem:s3], [sflag:s2] =	dma.local @!p0 [hbm:s0], s1  }
0x149: {  	s0 =	simm.s32 @!p0 $0x7  }
0x14a: {  	_ =	swait.ge @!p0 [sflag:s0], s1  }
0x14b: {  	s1 =	ssub.s32 @!p0 $0x0, s1;
	[sflag:s0] =	ssyncset.done @!p0 $0x0  }
0x14c: {  	[sflag:s0] =	ssyncadd.s32 @!p0 s1  }
0x14d: {  	[bflag:$0x3] =	sbarrier.arrive $0xFFFF  }
0x14e: {  	_ =	shalt  }

</sc_bundles>
